<compile_context>
chip_gen: v7x
topology: tpu7x:2x2x1
jax: 0.10.2.dev20260603
libtpu: 0.0.44.dev20260713+nightly
codegen_flags: <defaults>
</compile_context>

<pallas_src>
import functools

import jax
import jax.numpy as jnp
from jax import lax
from jax.experimental import pallas as pl
from jax.experimental.pallas import tpu as pltpu
from jax.experimental.pallas import tpu_sc as plsc

B = 4096
L = 50
D = 128
NC = 2
NS = 16
NW = NC * NS
PB = B // NW
GE = 2
CR = GE * L
NCH = PB // GE
XROWS = B * L // CR
XPW = XROWS // NW


def _sc_body(xr_h, emb_h, acc_h, xv, rowbuf, accbuf, sem0, sem1):
    cid = lax.axis_index("c")
    sid = lax.axis_index("s")
    wid = sid * NC + cid

    pltpu.sync_copy(xr_h.at[pl.ds(wid * XPW, XPW)], xv)

    sems = (sem0, sem1)

    pltpu.async_copy(emb_h.at[xv.at[0]], rowbuf.at[0], sem0)
    pltpu.async_copy(emb_h.at[xv.at[1]], rowbuf.at[1], sem1)

    def outer(j2, carry):
        for bslot in range(2):
            jj = j2 * 2 + bslot
            pltpu.make_async_copy(
                emb_h.at[xv.at[jj]], rowbuf.at[bslot], sems[bslot]).wait()
            for e in range(GE):
                bi = jj * GE + e

                def rbody(r, acc, _e=e, _bslot=bslot):
                    row = _e * L + r
                    return tuple(
                        acc[d] + rowbuf[_bslot, row, pl.ds(16 * d, 16)]
                        for d in range(8))

                acc = lax.fori_loop(
                    0, L, rbody,
                    tuple(jnp.zeros((16,), jnp.float32) for _ in range(8)))
                for d in range(8):
                    accbuf[bi, pl.ds(16 * d, 16)] = acc[d]

            @pl.when(jj + 2 < NCH)
            def _(_bslot=bslot, _jj=jj):
                pltpu.async_copy(
                    emb_h.at[xv.at[_jj + 2]], rowbuf.at[_bslot], sems[_bslot])
        return carry

    lax.fori_loop(0, NCH // 2, outer, 0)

    pltpu.sync_copy(accbuf, acc_h.at[pl.ds(wid * PB, PB)])


def _tc_body(acc_ref, w_ref, b_ref, o_ref):
    m = acc_ref[...] * (1.0 / L)
    s = 1.0 / (1.0 + jnp.exp(-m))
    t = jnp.sum(s * w_ref[...], axis=1, keepdims=True) + b_ref[0, 0]
    o_ref[...] = 1.0 / (1.0 + jnp.exp(-t))


@jax.jit
def _run(xr, emb, w2d, b2d):
    mesh = plsc.VectorSubcoreMesh(core_axis_name="c", subcore_axis_name="s",
                                  num_cores=NC, num_subcores=NS)
    sc = pl.kernel(
        _sc_body,
        out_type=jax.ShapeDtypeStruct((B, D), jnp.float32),
        mesh=mesh,
        scratch_types=[
            pltpu.VMEM((XPW, CR), jnp.int32),
            pltpu.VMEM((2, CR, D), jnp.float32),
            pltpu.VMEM((PB, D), jnp.float32),
            pltpu.SemaphoreType.DMA,
            pltpu.SemaphoreType.DMA,
        ],
    )
    acc = sc(xr, emb)
    out = pl.pallas_call(
        _tc_body,
        out_shape=jax.ShapeDtypeStruct((B, 1), jnp.float32),
    )(acc, w2d, b2d)
    return out


def kernel(x, emb, W, b):
    xr = x.reshape(XROWS, CR).astype(jnp.int32)
    w2d = W.reshape(1, D).astype(jnp.float32)
    b2d = b.reshape(1, 1).astype(jnp.float32)
    return _run(xr, emb, w2d, b2d)

# --- scband reference (transcript-rebuilt; emitter-appended) ---
"""Pipeline reference for scband-reviewer-18700287607422 (READ-ONLY COPY).

The authoritative reference and input builder live on the scoring server;
editing this copy changes nothing except your own understanding.
"""

import jax, jax.numpy as jnp
import numpy as np

VOCAB = 100000
DIM = 128
B = 4096
L = 50

def setup_inputs(seed: int = 0) -> dict:
    key = jax.random.key(seed)
    k1, k2, k3, k4 = jax.random.split(key, 4)
    x = jax.random.randint(k1, (B, L), 0, VOCAB, dtype=jnp.int64 if jax.config.jax_enable_x64 else jnp.int32)
    emb = jax.random.normal(k2, (VOCAB, DIM), dtype=jnp.float32) * 0.02
    # nn.Linear(dim, 1): weight [1, dim], bias [1]
    W = jax.random.normal(k3, (1, DIM), dtype=jnp.float32) * (1.0 / np.sqrt(DIM))
    b = jax.random.normal(k4, (1,), dtype=jnp.float32) * 0.01
    return {"x": x, "emb": emb, "W": W, "b": b}

def reference(x, emb, W, b):
    # embed = self.emdding(x)  -> gather rows
    e = jnp.take(emb, x, axis=0)            # [B, L, DIM]
    # mean = torch.mean(embed, axis=1)
    m = jnp.mean(e, axis=1)                  # [B, DIM]
    # sigs = self.sig(mean)
    s = jax.nn.sigmoid(m)
    # lin = self.lin(sigs)
    lin = s @ W.T + b                        # [B, 1]
    # sig = self.sig(lin)
    return jax.nn.sigmoid(lin)

if __name__ == "__main__":
    import jax
    _d = setup_inputs()
    print(jax.jit(kernel)(*tuple(_d.values())))

</pallas_src>

<mosaic_0001>
#map = affine_map<(d0, d1) -> (0, 0)>
module attributes {stable_mosaic.version = 14 : i64} {
  func.func @_sc_body(%arg0: i32, %arg1: i32, %arg2: memref<2048x100xi32, #tpu.memory_space<hbm>>, %arg3: memref<100000x128xf32, #tpu.memory_space<hbm>>, %arg4: memref<4096x128xf32, #tpu.memory_space<hbm>>, %arg5: memref<64x100xi32, #tpu.memory_space<vmem>>, %arg6: memref<2x100x128xf32, #tpu.memory_space<vmem>>, %arg7: memref<128x128xf32, #tpu.memory_space<vmem>>, %arg8: memref<!tpu.dma_semaphore, #tpu.memory_space<semaphore_mem>>, %arg9: memref<!tpu.dma_semaphore, #tpu.memory_space<semaphore_mem>>) attributes {dimension_semantics = [#tpu.dimension_semantics<core_parallel>, #tpu.dimension_semantics<subcore_parallel>], iteration_bounds = array<i64: 2, 16>, scalar_prefetch = 0 : i64, scratch_operands = 5 : i64, tpu.core_type = #tpu.core_type<sc_vector_subcore>, window_params = [{transform_indices = #map}, {transform_indices = #map}, {transform_indices = #map}]} {
    %mul3A = arith.constant 2 : i32
    %mul3A_0 = arith.muli %arg1, %mul3A : i32
    %add3A = arith.addi %mul3A_0, %arg0 : i32
    %mul3A_1 = arith.constant 64 : i32
    %mul3A_2 = arith.muli %add3A, %mul3A_1 : i32
    "tpu.region"() ({
      %run_scoped3A = tpu.sem_alloc : memref<!tpu.dma_semaphore, #tpu.memory_space<semaphore_mem>>
      %dma_start3A_33 = arith.constant 0 : i32
      %dma_start3A_34 = tpu.memref_slice %arg2[%mul3A_2, %dma_start3A_33] : memref<2048x100xi32, #tpu.memory_space<hbm>> -> memref<64x100xi32, #tpu.memory_space<hbm>>
      %dma_start3A_35 = arith.constant 0 : i32
      %dma_start3A_36 = tpu.memref_slice %arg2[%mul3A_2, %dma_start3A_35] : memref<2048x100xi32, #tpu.memory_space<hbm>> -> memref<64x100xi32, #tpu.memory_space<hbm>>
      tpu.enqueue_dma source(%dma_start3A_36 : memref<64x100xi32, #tpu.memory_space<hbm>>) target(%arg5 : memref<64x100xi32, #tpu.memory_space<vmem>>) target_semaphore(%run_scoped3A : memref<!tpu.dma_semaphore, #tpu.memory_space<semaphore_mem>>)
      %dma_wait3A = arith.constant 0 : i32
      %dma_wait3A_37 = tpu.memref_slice %arg2[%mul3A_2, %dma_wait3A] : memref<2048x100xi32, #tpu.memory_space<hbm>> -> memref<64x100xi32, #tpu.memory_space<hbm>>
      %dma_wait3A_38 = arith.constant 0 : i32
      %dma_wait3A_39 = tpu.memref_slice %arg2[%mul3A_2, %dma_wait3A_38] : memref<2048x100xi32, #tpu.memory_space<hbm>> -> memref<64x100xi32, #tpu.memory_space<hbm>>
      tpu.wait_dma2 semaphore(%run_scoped3A : memref<!tpu.dma_semaphore, #tpu.memory_space<semaphore_mem>>) src(%dma_wait3A_39 : memref<64x100xi32, #tpu.memory_space<hbm>>) dst(%arg5 : memref<64x100xi32, #tpu.memory_space<vmem>>)
      tpu.yield
    }) : () -> ()
    %dma_start3A = arith.constant 0 : i32
    %dma_start3A_3 = arith.constant 0 : i32
    %dma_start3A_4 = arith.constant 0 : i32
    %dma_start3A_5 = arith.constant 0 : i32
    %dma_start3A_6 = tpu.memref_slice %arg6[%dma_start3A_3, %dma_start3A_4, %dma_start3A_5] : memref<2x100x128xf32, #tpu.memory_space<vmem>> -> memref<1x100x128xf32, #tpu.memory_space<vmem>>
    %dma_start3A_7 = tpu.memref_squeeze %dma_start3A_6 : memref<1x100x128xf32, #tpu.memory_space<vmem>> -> memref<100x128xf32, #tpu.memory_space<vmem>>
    %dma_start3A_8 = arith.constant 0 : i32
    %dma_start3A_9 = tpu.memref_slice %arg5[%dma_start3A, %dma_start3A_8] : memref<64x100xi32, #tpu.memory_space<vmem>> -> memref<1x100xi32, #tpu.memory_space<vmem>>
    %dma_start3A_10 = tpu.memref_squeeze %dma_start3A_9 : memref<1x100xi32, #tpu.memory_space<vmem>> -> memref<100xi32, #tpu.memory_space<vmem>>
    %dma_start3A_11 = arith.constant 0 : i32
    %dma_start3A_12 = arith.constant 0 : i32
    %dma_start3A_13 = tpu.memref_slice %arg3[%dma_start3A_11, %dma_start3A_12] : memref<100000x128xf32, #tpu.memory_space<hbm>> -> memref<100000x128xf32, #tpu.memory_space<hbm>>
    tpu.enqueue_indirect_dma source(%dma_start3A_13 : memref<100000x128xf32, #tpu.memory_space<hbm>>) target(%dma_start3A_7 : memref<100x128xf32, #tpu.memory_space<vmem>>) offsets(%dma_start3A_10 : memref<100xi32, #tpu.memory_space<vmem>>) semaphore(%arg8 : memref<!tpu.dma_semaphore, #tpu.memory_space<semaphore_mem>>)
    %dma_start3A_14 = arith.constant 1 : i32
    %dma_start3A_15 = arith.constant 1 : i32
    %dma_start3A_16 = arith.constant 0 : i32
    %dma_start3A_17 = arith.constant 0 : i32
    %dma_start3A_18 = tpu.memref_slice %arg6[%dma_start3A_15, %dma_start3A_16, %dma_start3A_17] : memref<2x100x128xf32, #tpu.memory_space<vmem>> -> memref<1x100x128xf32, #tpu.memory_space<vmem>>
    %dma_start3A_19 = tpu.memref_squeeze %dma_start3A_18 : memref<1x100x128xf32, #tpu.memory_space<vmem>> -> memref<100x128xf32, #tpu.memory_space<vmem>>
    %dma_start3A_20 = arith.constant 0 : i32
    %dma_start3A_21 = tpu.memref_slice %arg5[%dma_start3A_14, %dma_start3A_20] : memref<64x100xi32, #tpu.memory_space<vmem>> -> memref<1x100xi32, #tpu.memory_space<vmem>>
    %dma_start3A_22 = tpu.memref_squeeze %dma_start3A_21 : memref<1x100xi32, #tpu.memory_space<vmem>> -> memref<100xi32, #tpu.memory_space<vmem>>
    %dma_start3A_23 = arith.constant 0 : i32
    %dma_start3A_24 = arith.constant 0 : i32
    %dma_start3A_25 = tpu.memref_slice %arg3[%dma_start3A_23, %dma_start3A_24] : memref<100000x128xf32, #tpu.memory_space<hbm>> -> memref<100000x128xf32, #tpu.memory_space<hbm>>
    tpu.enqueue_indirect_dma source(%dma_start3A_25 : memref<100000x128xf32, #tpu.memory_space<hbm>>) target(%dma_start3A_19 : memref<100x128xf32, #tpu.memory_space<vmem>>) offsets(%dma_start3A_22 : memref<100xi32, #tpu.memory_space<vmem>>) semaphore(%arg9 : memref<!tpu.dma_semaphore, #tpu.memory_space<semaphore_mem>>)
    %scan3A = arith.constant 0 : i32
    %scan3A_26 = arith.constant 0 : i32
    %scan3A_27 = arith.constant 32 : i32
    %scan3A_28 = arith.addi %scan3A_26, %scan3A_27 : i32
    %scan3A_29 = arith.constant 1 : i32
    scf.for %scan3A_33 = %scan3A_26 to %scan3A_28 step %scan3A_29  : i32 {
      %mul3A_34 = arith.constant 2 : i32
      %mul3A_35 = arith.muli %scan3A_33, %mul3A_34 : i32
      %add3A_36 = arith.constant 0 : i32
      %add3A_37 = arith.addi %mul3A_35, %add3A_36 : i32
      %dma_wait3A = arith.constant 0 : i32
      %dma_wait3A_38 = arith.constant 0 : i32
      %dma_wait3A_39 = arith.constant 0 : i32
      %dma_wait3A_40 = tpu.memref_slice %arg6[%dma_wait3A, %dma_wait3A_38, %dma_wait3A_39] : memref<2x100x128xf32, #tpu.memory_space<vmem>> -> memref<1x100x128xf32, #tpu.memory_space<vmem>>
      %dma_wait3A_41 = tpu.memref_squeeze %dma_wait3A_40 : memref<1x100x128xf32, #tpu.memory_space<vmem>> -> memref<100x128xf32, #tpu.memory_space<vmem>>
      %dma_wait3A_42 = arith.constant 0 : i32
      %dma_wait3A_43 = tpu.memref_slice %arg5[%add3A_37, %dma_wait3A_42] : memref<64x100xi32, #tpu.memory_space<vmem>> -> memref<1x100xi32, #tpu.memory_space<vmem>>
      %dma_wait3A_44 = tpu.memref_squeeze %dma_wait3A_43 : memref<1x100xi32, #tpu.memory_space<vmem>> -> memref<100xi32, #tpu.memory_space<vmem>>
      %dma_wait3A_45 = arith.constant 0 : i32
      %dma_wait3A_46 = arith.constant 0 : i32
      %dma_wait3A_47 = tpu.memref_slice %arg3[%dma_wait3A_45, %dma_wait3A_46] : memref<100000x128xf32, #tpu.memory_space<hbm>> -> memref<100000x128xf32, #tpu.memory_space<hbm>>
      tpu.wait_indirect_dma semaphore(%arg8 : memref<!tpu.dma_semaphore, #tpu.memory_space<semaphore_mem>>) src(%dma_wait3A_47 : memref<100000x128xf32, #tpu.memory_space<hbm>>) dst(%dma_wait3A_41 : memref<100x128xf32, #tpu.memory_space<vmem>>)
      %mul3A_48 = arith.constant 2 : i32
      %mul3A_49 = arith.muli %add3A_37, %mul3A_48 : i32
      %add3A_50 = arith.constant 0 : i32
      %add3A_51 = arith.addi %mul3A_49, %add3A_50 : i32
      %broadcast_in_dim3A = arith.constant 0.000000e+00 : f32
      %broadcast_in_dim3A_52 = vector.broadcast %broadcast_in_dim3A : f32 to vector<16xf32>
      %broadcast_in_dim3A_53 = arith.constant 0.000000e+00 : f32
      %broadcast_in_dim3A_54 = vector.broadcast %broadcast_in_dim3A_53 : f32 to vector<16xf32>
      %broadcast_in_dim3A_55 = arith.constant 0.000000e+00 : f32
      %broadcast_in_dim3A_56 = vector.broadcast %broadcast_in_dim3A_55 : f32 to vector<16xf32>
      %broadcast_in_dim3A_57 = arith.constant 0.000000e+00 : f32
      %broadcast_in_dim3A_58 = vector.broadcast %broadcast_in_dim3A_57 : f32 to vector<16xf32>
      %broadcast_in_dim3A_59 = arith.constant 0.000000e+00 : f32
      %broadcast_in_dim3A_60 = vector.broadcast %broadcast_in_dim3A_59 : f32 to vector<16xf32>
      %broadcast_in_dim3A_61 = arith.constant 0.000000e+00 : f32
      %broadcast_in_dim3A_62 = vector.broadcast %broadcast_in_dim3A_61 : f32 to vector<16xf32>
      %broadcast_in_dim3A_63 = arith.constant 0.000000e+00 : f32
      %broadcast_in_dim3A_64 = vector.broadcast %broadcast_in_dim3A_63 : f32 to vector<16xf32>
      %broadcast_in_dim3A_65 = arith.constant 0.000000e+00 : f32
      %broadcast_in_dim3A_66 = vector.broadcast %broadcast_in_dim3A_65 : f32 to vector<16xf32>
      %scan3A_67 = arith.constant 0 : i32
      %scan3A_68 = arith.constant 50 : i32
      %scan3A_69 = arith.addi %scan3A_67, %scan3A_68 : i32
      %scan3A_70 = arith.constant 1 : i32
      %scan3A_71:8 = scf.for %scan3A_336 = %scan3A_67 to %scan3A_69 step %scan3A_70 iter_args(%scan3A_337 = %broadcast_in_dim3A_52, %scan3A_338 = %broadcast_in_dim3A_54, %scan3A_339 = %broadcast_in_dim3A_56, %scan3A_340 = %broadcast_in_dim3A_58, %scan3A_341 = %broadcast_in_dim3A_60, %scan3A_342 = %broadcast_in_dim3A_62, %scan3A_343 = %broadcast_in_dim3A_64, %scan3A_344 = %broadcast_in_dim3A_66) -> (vector<16xf32>, vector<16xf32>, vector<16xf32>, vector<16xf32>, vector<16xf32>, vector<16xf32>, vector<16xf32>, vector<16xf32>)  : i32 {
        %add3A_345 = arith.constant 0 : i32
        %add3A_346 = arith.addi %add3A_345, %scan3A_336 : i32
        %get3A = arith.constant 0 : i32
        %get3A_347 = arith.index_cast %get3A : i32 to index
        %get3A_348 = arith.index_cast %add3A_346 : i32 to index
        %get3A_349 = arith.constant 0 : index
        %get3A_350 = tpu.vector_load %arg6[%get3A_347, %get3A_348, %get3A_349] {strides = array<i32>} : memref<2x100x128xf32, #tpu.memory_space<vmem>>, vector<1x1x16xf32>,
        %get3A_351 = vector.shape_cast %get3A_350 : vector<1x1x16xf32> to vector<16xf32>
        %add3A_352 = arith.addf %scan3A_337, %get3A_351 : vector<16xf32>
        %get3A_353 = arith.constant 0 : i32
        %get3A_354 = arith.index_cast %get3A_353 : i32 to index
        %get3A_355 = arith.index_cast %add3A_346 : i32 to index
        %get3A_356 = arith.constant 16 : index
        %get3A_357 = tpu.vector_load %arg6[%get3A_354, %get3A_355, %get3A_356] {strides = array<i32>} : memref<2x100x128xf32, #tpu.memory_space<vmem>>, vector<1x1x16xf32>,
        %get3A_358 = vector.shape_cast %get3A_357 : vector<1x1x16xf32> to vector<16xf32>
        %add3A_359 = arith.addf %scan3A_338, %get3A_358 : vector<16xf32>
        %get3A_360 = arith.constant 0 : i32
        %get3A_361 = arith.index_cast %get3A_360 : i32 to index
        %get3A_362 = arith.index_cast %add3A_346 : i32 to index
        %get3A_363 = arith.constant 32 : index
        %get3A_364 = tpu.vector_load %arg6[%get3A_361, %get3A_362, %get3A_363] {strides = array<i32>} : memref<2x100x128xf32, #tpu.memory_space<vmem>>, vector<1x1x16xf32>,
        %get3A_365 = vector.shape_cast %get3A_364 : vector<1x1x16xf32> to vector<16xf32>
        %add3A_366 = arith.addf %scan3A_339, %get3A_365 : vector<16xf32>
        %get3A_367 = arith.constant 0 : i32
        %get3A_368 = arith.index_cast %get3A_367 : i32 to index
        %get3A_369 = arith.index_cast %add3A_346 : i32 to index
        %get3A_370 = arith.constant 48 : index
        %get3A_371 = tpu.vector_load %arg6[%get3A_368, %get3A_369, %get3A_370] {strides = array<i32>} : memref<2x100x128xf32, #tpu.memory_space<vmem>>, vector<1x1x16xf32>,
        %get3A_372 = vector.shape_cast %get3A_371 : vector<1x1x16xf32> to vector<16xf32>
        %add3A_373 = arith.addf %scan3A_340, %get3A_372 : vector<16xf32>
        %get3A_374 = arith.constant 0 : i32
        %get3A_375 = arith.index_cast %get3A_374 : i32 to index
        %get3A_376 = arith.index_cast %add3A_346 : i32 to index
        %get3A_377 = arith.constant 64 : index
        %get3A_378 = tpu.vector_load %arg6[%get3A_375, %get3A_376, %get3A_377] {strides = array<i32>} : memref<2x100x128xf32, #tpu.memory_space<vmem>>, vector<1x1x16xf32>,
        %get3A_379 = vector.shape_cast %get3A_378 : vector<1x1x16xf32> to vector<16xf32>
        %add3A_380 = arith.addf %scan3A_341, %get3A_379 : vector<16xf32>
        %get3A_381 = arith.constant 0 : i32
        %get3A_382 = arith.index_cast %get3A_381 : i32 to index
        %get3A_383 = arith.index_cast %add3A_346 : i32 to index
        %get3A_384 = arith.constant 80 : index
        %get3A_385 = tpu.vector_load %arg6[%get3A_382, %get3A_383, %get3A_384] {strides = array<i32>} : memref<2x100x128xf32, #tpu.memory_space<vmem>>, vector<1x1x16xf32>,
        %get3A_386 = vector.shape_cast %get3A_385 : vector<1x1x16xf32> to vector<16xf32>
        %add3A_387 = arith.addf %scan3A_342, %get3A_386 : vector<16xf32>
        %get3A_388 = arith.constant 0 : i32
        %get3A_389 = arith.index_cast %get3A_388 : i32 to index
        %get3A_390 = arith.index_cast %add3A_346 : i32 to index
        %get3A_391 = arith.constant 96 : index
        %get3A_392 = tpu.vector_load %arg6[%get3A_389, %get3A_390, %get3A_391] {strides = array<i32>} : memref<2x100x128xf32, #tpu.memory_space<vmem>>, vector<1x1x16xf32>,
        %get3A_393 = vector.shape_cast %get3A_392 : vector<1x1x16xf32> to vector<16xf32>
        %add3A_394 = arith.addf %scan3A_343, %get3A_393 : vector<16xf32>
        %get3A_395 = arith.constant 0 : i32
        %get3A_396 = arith.index_cast %get3A_395 : i32 to index
        %get3A_397 = arith.index_cast %add3A_346 : i32 to index
        %get3A_398 = arith.constant 112 : index
        %get3A_399 = tpu.vector_load %arg6[%get3A_396, %get3A_397, %get3A_398] {strides = array<i32>} : memref<2x100x128xf32, #tpu.memory_space<vmem>>, vector<1x1x16xf32>,
        %get3A_400 = vector.shape_cast %get3A_399 : vector<1x1x16xf32> to vector<16xf32>
        %add3A_401 = arith.addf %scan3A_344, %get3A_400 : vector<16xf32>
        scf.yield %add3A_352, %add3A_359, %add3A_366, %add3A_373, %add3A_380, %add3A_387, %add3A_394, %add3A_401 : vector<16xf32>, vector<16xf32>, vector<16xf32>, vector<16xf32>, vector<16xf32>, vector<16xf32>, vector<16xf32>, vector<16xf32>
      }
      %scan3A_72 = arith.constant 50 : i32
      %swap3A = arith.index_cast %add3A_51 : i32 to index
      %swap3A_73 = arith.constant 0 : index
      %swap3A_74 = tpu.vector_load %arg7[%swap3A, %swap3A_73] {strides = array<i32>} : memref<128x128xf32, #tpu.memory_space<vmem>>, vector<1x16xf32>,
      %swap3A_75 = vector.shape_cast %swap3A_74 : vector<1x16xf32> to vector<16xf32>
      %swap3A_76 = vector.shape_cast %scan3A_71#0 : vector<16xf32> to vector<1x16xf32>
      tpu.vector_store %arg7[%swap3A, %swap3A_73], %swap3A_76 {strides = array<i32>} : memref<128x128xf32, #tpu.memory_space<vmem>>, vector<1x16xf32>,
      %swap3A_77 = arith.index_cast %add3A_51 : i32 to index
      %swap3A_78 = arith.constant 16 : index
      %swap3A_79 = tpu.vector_load %arg7[%swap3A_77, %swap3A_78] {strides = array<i32>} : memref<128x128xf32, #tpu.memory_space<vmem>>, vector<1x16xf32>,
      %swap3A_80 = vector.shape_cast %swap3A_79 : vector<1x16xf32> to vector<16xf32>
      %swap3A_81 = vector.shape_cast %scan3A_71#1 : vector<16xf32> to vector<1x16xf32>
      tpu.vector_store %arg7[%swap3A_77, %swap3A_78], %swap3A_81 {strides = array<i32>} : memref<128x128xf32, #tpu.memory_space<vmem>>, vector<1x16xf32>,
      %swap3A_82 = arith.index_cast %add3A_51 : i32 to index
      %swap3A_83 = arith.constant 32 : index
      %swap3A_84 = tpu.vector_load %arg7[%swap3A_82, %swap3A_83] {strides = array<i32>} : memref<128x128xf32, #tpu.memory_space<vmem>>, vector<1x16xf32>,
      %swap3A_85 = vector.shape_cast %swap3A_84 : vector<1x16xf32> to vector<16xf32>
      %swap3A_86 = vector.shape_cast %scan3A_71#2 : vector<16xf32> to vector<1x16xf32>
      tpu.vector_store %arg7[%swap3A_82, %swap3A_83], %swap3A_86 {strides = array<i32>} : memref<128x128xf32, #tpu.memory_space<vmem>>, vector<1x16xf32>,
      %swap3A_87 = arith.index_cast %add3A_51 : i32 to index
      %swap3A_88 = arith.constant 48 : index
      %swap3A_89 = tpu.vector_load %arg7[%swap3A_87, %swap3A_88] {strides = array<i32>} : memref<128x128xf32, #tpu.memory_space<vmem>>, vector<1x16xf32>,
      %swap3A_90 = vector.shape_cast %swap3A_89 : vector<1x16xf32> to vector<16xf32>
      %swap3A_91 = vector.shape_cast %scan3A_71#3 : vector<16xf32> to vector<1x16xf32>
      tpu.vector_store %arg7[%swap3A_87, %swap3A_88], %swap3A_91 {strides = array<i32>} : memref<128x128xf32, #tpu.memory_space<vmem>>, vector<1x16xf32>,
      %swap3A_92 = arith.index_cast %add3A_51 : i32 to index
      %swap3A_93 = arith.constant 64 : index
      %swap3A_94 = tpu.vector_load %arg7[%swap3A_92, %swap3A_93] {strides = array<i32>} : memref<128x128xf32, #tpu.memory_space<vmem>>, vector<1x16xf32>,
      %swap3A_95 = vector.shape_cast %swap3A_94 : vector<1x16xf32> to vector<16xf32>
      %swap3A_96 = vector.shape_cast %scan3A_71#4 : vector<16xf32> to vector<1x16xf32>
      tpu.vector_store %arg7[%swap3A_92, %swap3A_93], %swap3A_96 {strides = array<i32>} : memref<128x128xf32, #tpu.memory_space<vmem>>, vector<1x16xf32>,
      %swap3A_97 = arith.index_cast %add3A_51 : i32 to index
      %swap3A_98 = arith.constant 80 : index
      %swap3A_99 = tpu.vector_load %arg7[%swap3A_97, %swap3A_98] {strides = array<i32>} : memref<128x128xf32, #tpu.memory_space<vmem>>, vector<1x16xf32>,
      %swap3A_100 = vector.shape_cast %swap3A_99 : vector<1x16xf32> to vector<16xf32>
      %swap3A_101 = vector.shape_cast %scan3A_71#5 : vector<16xf32> to vector<1x16xf32>
      tpu.vector_store %arg7[%swap3A_97, %swap3A_98], %swap3A_101 {strides = array<i32>} : memref<128x128xf32, #tpu.memory_space<vmem>>, vector<1x16xf32>,
      %swap3A_102 = arith.index_cast %add3A_51 : i32 to index
      %swap3A_103 = arith.constant 96 : index
      %swap3A_104 = tpu.vector_load %arg7[%swap3A_102, %swap3A_103] {strides = array<i32>} : memref<128x128xf32, #tpu.memory_space<vmem>>, vector<1x16xf32>,
      %swap3A_105 = vector.shape_cast %swap3A_104 : vector<1x16xf32> to vector<16xf32>
      %swap3A_106 = vector.shape_cast %scan3A_71#6 : vector<16xf32> to vector<1x16xf32>
      tpu.vector_store %arg7[%swap3A_102, %swap3A_103], %swap3A_106 {strides = array<i32>} : memref<128x128xf32, #tpu.memory_space<vmem>>, vector<1x16xf32>,
      %swap3A_107 = arith.index_cast %add3A_51 : i32 to index
      %swap3A_108 = arith.constant 112 : index
      %swap3A_109 = tpu.vector_load %arg7[%swap3A_107, %swap3A_108] {strides = array<i32>} : memref<128x128xf32, #tpu.memory_space<vmem>>, vector<1x16xf32>,
      %swap3A_110 = vector.shape_cast %swap3A_109 : vector<1x16xf32> to vector<16xf32>
      %swap3A_111 = vector.shape_cast %scan3A_71#7 : vector<16xf32> to vector<1x16xf32>
      tpu.vector_store %arg7[%swap3A_107, %swap3A_108], %swap3A_111 {strides = array<i32>} : memref<128x128xf32, #tpu.memory_space<vmem>>, vector<1x16xf32>,
      %mul3A_112 = arith.constant 2 : i32
      %mul3A_113 = arith.muli %add3A_37, %mul3A_112 : i32
      %add3A_114 = arith.constant 1 : i32
      %add3A_115 = arith.addi %mul3A_113, %add3A_114 : i32
      %broadcast_in_dim3A_116 = arith.constant 0.000000e+00 : f32
      %broadcast_in_dim3A_117 = vector.broadcast %broadcast_in_dim3A_116 : f32 to vector<16xf32>
      %broadcast_in_dim3A_118 = arith.constant 0.000000e+00 : f32
      %broadcast_in_dim3A_119 = vector.broadcast %broadcast_in_dim3A_118 : f32 to vector<16xf32>
      %broadcast_in_dim3A_120 = arith.constant 0.000000e+00 : f32
      %broadcast_in_dim3A_121 = vector.broadcast %broadcast_in_dim3A_120 : f32 to vector<16xf32>
      %broadcast_in_dim3A_122 = arith.constant 0.000000e+00 : f32
      %broadcast_in_dim3A_123 = vector.broadcast %broadcast_in_dim3A_122 : f32 to vector<16xf32>
      %broadcast_in_dim3A_124 = arith.constant 0.000000e+00 : f32
      %broadcast_in_dim3A_125 = vector.broadcast %broadcast_in_dim3A_124 : f32 to vector<16xf32>
      %broadcast_in_dim3A_126 = arith.constant 0.000000e+00 : f32
      %broadcast_in_dim3A_127 = vector.broadcast %broadcast_in_dim3A_126 : f32 to vector<16xf32>
      %broadcast_in_dim3A_128 = arith.constant 0.000000e+00 : f32
      %broadcast_in_dim3A_129 = vector.broadcast %broadcast_in_dim3A_128 : f32 to vector<16xf32>
      %broadcast_in_dim3A_130 = arith.constant 0.000000e+00 : f32
      %broadcast_in_dim3A_131 = vector.broadcast %broadcast_in_dim3A_130 : f32 to vector<16xf32>
      %scan3A_132 = arith.constant 0 : i32
      %scan3A_133 = arith.constant 50 : i32
      %scan3A_134 = arith.addi %scan3A_132, %scan3A_133 : i32
      %scan3A_135 = arith.constant 1 : i32
      %scan3A_136:8 = scf.for %scan3A_336 = %scan3A_132 to %scan3A_134 step %scan3A_135 iter_args(%scan3A_337 = %broadcast_in_dim3A_117, %scan3A_338 = %broadcast_in_dim3A_119, %scan3A_339 = %broadcast_in_dim3A_121, %scan3A_340 = %broadcast_in_dim3A_123, %scan3A_341 = %broadcast_in_dim3A_125, %scan3A_342 = %broadcast_in_dim3A_127, %scan3A_343 = %broadcast_in_dim3A_129, %scan3A_344 = %broadcast_in_dim3A_131) -> (vector<16xf32>, vector<16xf32>, vector<16xf32>, vector<16xf32>, vector<16xf32>, vector<16xf32>, vector<16xf32>, vector<16xf32>)  : i32 {
        %add3A_345 = arith.constant 50 : i32
        %add3A_346 = arith.addi %add3A_345, %scan3A_336 : i32
        %get3A = arith.constant 0 : i32
        %get3A_347 = arith.index_cast %get3A : i32 to index
        %get3A_348 = arith.index_cast %add3A_346 : i32 to index
        %get3A_349 = arith.constant 0 : index
        %get3A_350 = tpu.vector_load %arg6[%get3A_347, %get3A_348, %get3A_349] {strides = array<i32>} : memref<2x100x128xf32, #tpu.memory_space<vmem>>, vector<1x1x16xf32>,
        %get3A_351 = vector.shape_cast %get3A_350 : vector<1x1x16xf32> to vector<16xf32>
        %add3A_352 = arith.addf %scan3A_337, %get3A_351 : vector<16xf32>
        %get3A_353 = arith.constant 0 : i32
        %get3A_354 = arith.index_cast %get3A_353 : i32 to index
        %get3A_355 = arith.index_cast %add3A_346 : i32 to index
        %get3A_356 = arith.constant 16 : index
        %get3A_357 = tpu.vector_load %arg6[%get3A_354, %get3A_355, %get3A_356] {strides = array<i32>} : memref<2x100x128xf32, #tpu.memory_space<vmem>>, vector<1x1x16xf32>,
        %get3A_358 = vector.shape_cast %get3A_357 : vector<1x1x16xf32> to vector<16xf32>
        %add3A_359 = arith.addf %scan3A_338, %get3A_358 : vector<16xf32>
        %get3A_360 = arith.constant 0 : i32
        %get3A_361 = arith.index_cast %get3A_360 : i32 to index
        %get3A_362 = arith.index_cast %add3A_346 : i32 to index
        %get3A_363 = arith.constant 32 : index
        %get3A_364 = tpu.vector_load %arg6[%get3A_361, %get3A_362, %get3A_363] {strides = array<i32>} : memref<2x100x128xf32, #tpu.memory_space<vmem>>, vector<1x1x16xf32>,
        %get3A_365 = vector.shape_cast %get3A_364 : vector<1x1x16xf32> to vector<16xf32>
        %add3A_366 = arith.addf %scan3A_339, %get3A_365 : vector<16xf32>
        %get3A_367 = arith.constant 0 : i32
        %get3A_368 = arith.index_cast %get3A_367 : i32 to index
        %get3A_369 = arith.index_cast %add3A_346 : i32 to index
        %get3A_370 = arith.constant 48 : index
        %get3A_371 = tpu.vector_load %arg6[%get3A_368, %get3A_369, %get3A_370] {strides = array<i32>} : memref<2x100x128xf32, #tpu.memory_space<vmem>>, vector<1x1x16xf32>,
        %get3A_372 = vector.shape_cast %get3A_371 : vector<1x1x16xf32> to vector<16xf32>
        %add3A_373 = arith.addf %scan3A_340, %get3A_372 : vector<16xf32>
        %get3A_374 = arith.constant 0 : i32
        %get3A_375 = arith.index_cast %get3A_374 : i32 to index
        %get3A_376 = arith.index_cast %add3A_346 : i32 to index
        %get3A_377 = arith.constant 64 : index
        %get3A_378 = tpu.vector_load %arg6[%get3A_375, %get3A_376, %get3A_377] {strides = array<i32>} : memref<2x100x128xf32, #tpu.memory_space<vmem>>, vector<1x1x16xf32>,
        %get3A_379 = vector.shape_cast %get3A_378 : vector<1x1x16xf32> to vector<16xf32>
        %add3A_380 = arith.addf %scan3A_341, %get3A_379 : vector<16xf32>
        %get3A_381 = arith.constant 0 : i32
        %get3A_382 = arith.index_cast %get3A_381 : i32 to index
        %get3A_383 = arith.index_cast %add3A_346 : i32 to index
        %get3A_384 = arith.constant 80 : index
        %get3A_385 = tpu.vector_load %arg6[%get3A_382, %get3A_383, %get3A_384] {strides = array<i32>} : memref<2x100x128xf32, #tpu.memory_space<vmem>>, vector<1x1x16xf32>,
        %get3A_386 = vector.shape_cast %get3A_385 : vector<1x1x16xf32> to vector<16xf32>
        %add3A_387 = arith.addf %scan3A_342, %get3A_386 : vector<16xf32>
        %get3A_388 = arith.constant 0 : i32
        %get3A_389 = arith.index_cast %get3A_388 : i32 to index
        %get3A_390 = arith.index_cast %add3A_346 : i32 to index
        %get3A_391 = arith.constant 96 : index
        %get3A_392 = tpu.vector_load %arg6[%get3A_389, %get3A_390, %get3A_391] {strides = array<i32>} : memref<2x100x128xf32, #tpu.memory_space<vmem>>, vector<1x1x16xf32>,
        %get3A_393 = vector.shape_cast %get3A_392 : vector<1x1x16xf32> to vector<16xf32>
        %add3A_394 = arith.addf %scan3A_343, %get3A_393 : vector<16xf32>
        %get3A_395 = arith.constant 0 : i32
        %get3A_396 = arith.index_cast %get3A_395 : i32 to index
        %get3A_397 = arith.index_cast %add3A_346 : i32 to index
        %get3A_398 = arith.constant 112 : index
        %get3A_399 = tpu.vector_load %arg6[%get3A_396, %get3A_397, %get3A_398] {strides = array<i32>} : memref<2x100x128xf32, #tpu.memory_space<vmem>>, vector<1x1x16xf32>,
        %get3A_400 = vector.shape_cast %get3A_399 : vector<1x1x16xf32> to vector<16xf32>
        %add3A_401 = arith.addf %scan3A_344, %get3A_400 : vector<16xf32>
        scf.yield %add3A_352, %add3A_359, %add3A_366, %add3A_373, %add3A_380, %add3A_387, %add3A_394, %add3A_401 : vector<16xf32>, vector<16xf32>, vector<16xf32>, vector<16xf32>, vector<16xf32>, vector<16xf32>, vector<16xf32>, vector<16xf32>
      }
      %scan3A_137 = arith.constant 50 : i32
      %swap3A_138 = arith.index_cast %add3A_115 : i32 to index
      %swap3A_139 = arith.constant 0 : index
      %swap3A_140 = tpu.vector_load %arg7[%swap3A_138, %swap3A_139] {strides = array<i32>} : memref<128x128xf32, #tpu.memory_space<vmem>>, vector<1x16xf32>,
      %swap3A_141 = vector.shape_cast %swap3A_140 : vector<1x16xf32> to vector<16xf32>
      %swap3A_142 = vector.shape_cast %scan3A_136#0 : vector<16xf32> to vector<1x16xf32>
      tpu.vector_store %arg7[%swap3A_138, %swap3A_139], %swap3A_142 {strides = array<i32>} : memref<128x128xf32, #tpu.memory_space<vmem>>, vector<1x16xf32>,
      %swap3A_143 = arith.index_cast %add3A_115 : i32 to index
      %swap3A_144 = arith.constant 16 : index
      %swap3A_145 = tpu.vector_load %arg7[%swap3A_143, %swap3A_144] {strides = array<i32>} : memref<128x128xf32, #tpu.memory_space<vmem>>, vector<1x16xf32>,
      %swap3A_146 = vector.shape_cast %swap3A_145 : vector<1x16xf32> to vector<16xf32>
      %swap3A_147 = vector.shape_cast %scan3A_136#1 : vector<16xf32> to vector<1x16xf32>
      tpu.vector_store %arg7[%swap3A_143, %swap3A_144], %swap3A_147 {strides = array<i32>} : memref<128x128xf32, #tpu.memory_space<vmem>>, vector<1x16xf32>,
      %swap3A_148 = arith.index_cast %add3A_115 : i32 to index
      %swap3A_149 = arith.constant 32 : index
      %swap3A_150 = tpu.vector_load %arg7[%swap3A_148, %swap3A_149] {strides = array<i32>} : memref<128x128xf32, #tpu.memory_space<vmem>>, vector<1x16xf32>,
      %swap3A_151 = vector.shape_cast %swap3A_150 : vector<1x16xf32> to vector<16xf32>
      %swap3A_152 = vector.shape_cast %scan3A_136#2 : vector<16xf32> to vector<1x16xf32>
      tpu.vector_store %arg7[%swap3A_148, %swap3A_149], %swap3A_152 {strides = array<i32>} : memref<128x128xf32, #tpu.memory_space<vmem>>, vector<1x16xf32>,
      %swap3A_153 = arith.index_cast %add3A_115 : i32 to index
      %swap3A_154 = arith.constant 48 : index
      %swap3A_155 = tpu.vector_load %arg7[%swap3A_153, %swap3A_154] {strides = array<i32>} : memref<128x128xf32, #tpu.memory_space<vmem>>, vector<1x16xf32>,
      %swap3A_156 = vector.shape_cast %swap3A_155 : vector<1x16xf32> to vector<16xf32>
      %swap3A_157 = vector.shape_cast %scan3A_136#3 : vector<16xf32> to vector<1x16xf32>
      tpu.vector_store %arg7[%swap3A_153, %swap3A_154], %swap3A_157 {strides = array<i32>} : memref<128x128xf32, #tpu.memory_space<vmem>>, vector<1x16xf32>,
      %swap3A_158 = arith.index_cast %add3A_115 : i32 to index
      %swap3A_159 = arith.constant 64 : index
      %swap3A_160 = tpu.vector_load %arg7[%swap3A_158, %swap3A_159] {strides = array<i32>} : memref<128x128xf32, #tpu.memory_space<vmem>>, vector<1x16xf32>,
      %swap3A_161 = vector.shape_cast %swap3A_160 : vector<1x16xf32> to vector<16xf32>
      %swap3A_162 = vector.shape_cast %scan3A_136#4 : vector<16xf32> to vector<1x16xf32>
      tpu.vector_store %arg7[%swap3A_158, %swap3A_159], %swap3A_162 {strides = array<i32>} : memref<128x128xf32, #tpu.memory_space<vmem>>, vector<1x16xf32>,
      %swap3A_163 = arith.index_cast %add3A_115 : i32 to index
      %swap3A_164 = arith.constant 80 : index
      %swap3A_165 = tpu.vector_load %arg7[%swap3A_163, %swap3A_164] {strides = array<i32>} : memref<128x128xf32, #tpu.memory_space<vmem>>, vector<1x16xf32>,
      %swap3A_166 = vector.shape_cast %swap3A_165 : vector<1x16xf32> to vector<16xf32>
      %swap3A_167 = vector.shape_cast %scan3A_136#5 : vector<16xf32> to vector<1x16xf32>
      tpu.vector_store %arg7[%swap3A_163, %swap3A_164], %swap3A_167 {strides = array<i32>} : memref<128x128xf32, #tpu.memory_space<vmem>>, vector<1x16xf32>,
      %swap3A_168 = arith.index_cast %add3A_115 : i32 to index
      %swap3A_169 = arith.constant 96 : index
      %swap3A_170 = tpu.vector_load %arg7[%swap3A_168, %swap3A_169] {strides = array<i32>} : memref<128x128xf32, #tpu.memory_space<vmem>>, vector<1x16xf32>,
      %swap3A_171 = vector.shape_cast %swap3A_170 : vector<1x16xf32> to vector<16xf32>
      %swap3A_172 = vector.shape_cast %scan3A_136#6 : vector<16xf32> to vector<1x16xf32>
      tpu.vector_store %arg7[%swap3A_168, %swap3A_169], %swap3A_172 {strides = array<i32>} : memref<128x128xf32, #tpu.memory_space<vmem>>, vector<1x16xf32>,
      %swap3A_173 = arith.index_cast %add3A_115 : i32 to index
      %swap3A_174 = arith.constant 112 : index
      %swap3A_175 = tpu.vector_load %arg7[%swap3A_173, %swap3A_174] {strides = array<i32>} : memref<128x128xf32, #tpu.memory_space<vmem>>, vector<1x16xf32>,
      %swap3A_176 = vector.shape_cast %swap3A_175 : vector<1x16xf32> to vector<16xf32>
      %swap3A_177 = vector.shape_cast %scan3A_136#7 : vector<16xf32> to vector<1x16xf32>
      tpu.vector_store %arg7[%swap3A_173, %swap3A_174], %swap3A_177 {strides = array<i32>} : memref<128x128xf32, #tpu.memory_space<vmem>>, vector<1x16xf32>,
      %add3A_178 = arith.constant 2 : i32
      %add3A_179 = arith.addi %add3A_37, %add3A_178 : i32
      %lt3A = arith.constant 64 : i32
      %lt3A_180 = arith.cmpi slt, %add3A_179, %lt3A : i32
      %convert_element_type3A = arith.extui %lt3A_180 : i1 to i32
      %cond3A = arith.constant 0 : i32
      %cond3A_181 = arith.cmpi ne, %convert_element_type3A, %cond3A : i32
      scf.if %cond3A_181 {
        %add3A_336 = arith.constant 2 : i32
        %add3A_337 = arith.addi %add3A_37, %add3A_336 : i32
        %dma_start3A_338 = arith.constant 0 : i32
        %dma_start3A_339 = arith.constant 0 : i32
        %dma_start3A_340 = arith.constant 0 : i32
        %dma_start3A_341 = tpu.memref_slice %arg6[%dma_start3A_338, %dma_start3A_339, %dma_start3A_340] : memref<2x100x128xf32, #tpu.memory_space<vmem>> -> memref<1x100x128xf32, #tpu.memory_space<vmem>>
        %dma_start3A_342 = tpu.memref_squeeze %dma_start3A_341 : memref<1x100x128xf32, #tpu.memory_space<vmem>> -> memref<100x128xf32, #tpu.memory_space<vmem>>
        %dma_start3A_343 = arith.constant 0 : i32
        %dma_start3A_344 = tpu.memref_slice %arg5[%add3A_337, %dma_start3A_343] : memref<64x100xi32, #tpu.memory_space<vmem>> -> memref<1x100xi32, #tpu.memory_space<vmem>>
        %dma_start3A_345 = tpu.memref_squeeze %dma_start3A_344 : memref<1x100xi32, #tpu.memory_space<vmem>> -> memref<100xi32, #tpu.memory_space<vmem>>
        %dma_start3A_346 = arith.constant 0 : i32
        %dma_start3A_347 = arith.constant 0 : i32
        %dma_start3A_348 = tpu.memref_slice %arg3[%dma_start3A_346, %dma_start3A_347] : memref<100000x128xf32, #tpu.memory_space<hbm>> -> memref<100000x128xf32, #tpu.memory_space<hbm>>
        tpu.enqueue_indirect_dma source(%dma_start3A_348 : memref<100000x128xf32, #tpu.memory_space<hbm>>) target(%dma_start3A_342 : memref<100x128xf32, #tpu.memory_space<vmem>>) offsets(%dma_start3A_345 : memref<100xi32, #tpu.memory_space<vmem>>) semaphore(%arg8 : memref<!tpu.dma_semaphore, #tpu.memory_space<semaphore_mem>>)
      } else {
      }
      %mul3A_182 = arith.constant 2 : i32
      %mul3A_183 = arith.muli %scan3A_33, %mul3A_182 : i32
      %add3A_184 = arith.constant 1 : i32
      %add3A_185 = arith.addi %mul3A_183, %add3A_184 : i32
      %dma_wait3A_186 = arith.constant 1 : i32
      %dma_wait3A_187 = arith.constant 0 : i32
      %dma_wait3A_188 = arith.constant 0 : i32
      %dma_wait3A_189 = tpu.memref_slice %arg6[%dma_wait3A_186, %dma_wait3A_187, %dma_wait3A_188] : memref<2x100x128xf32, #tpu.memory_space<vmem>> -> memref<1x100x128xf32, #tpu.memory_space<vmem>>
      %dma_wait3A_190 = tpu.memref_squeeze %dma_wait3A_189 : memref<1x100x128xf32, #tpu.memory_space<vmem>> -> memref<100x128xf32, #tpu.memory_space<vmem>>
      %dma_wait3A_191 = arith.constant 0 : i32
      %dma_wait3A_192 = tpu.memref_slice %arg5[%add3A_185, %dma_wait3A_191] : memref<64x100xi32, #tpu.memory_space<vmem>> -> memref<1x100xi32, #tpu.memory_space<vmem>>
      %dma_wait3A_193 = tpu.memref_squeeze %dma_wait3A_192 : memref<1x100xi32, #tpu.memory_space<vmem>> -> memref<100xi32, #tpu.memory_space<vmem>>
      %dma_wait3A_194 = arith.constant 0 : i32
      %dma_wait3A_195 = arith.constant 0 : i32
      %dma_wait3A_196 = tpu.memref_slice %arg3[%dma_wait3A_194, %dma_wait3A_195] : memref<100000x128xf32, #tpu.memory_space<hbm>> -> memref<100000x128xf32, #tpu.memory_space<hbm>>
      tpu.wait_indirect_dma semaphore(%arg9 : memref<!tpu.dma_semaphore, #tpu.memory_space<semaphore_mem>>) src(%dma_wait3A_196 : memref<100000x128xf32, #tpu.memory_space<hbm>>) dst(%dma_wait3A_190 : memref<100x128xf32, #tpu.memory_space<vmem>>)
      %mul3A_197 = arith.constant 2 : i32
      %mul3A_198 = arith.muli %add3A_185, %mul3A_197 : i32
      %add3A_199 = arith.constant 0 : i32
      %add3A_200 = arith.addi %mul3A_198, %add3A_199 : i32
      %broadcast_in_dim3A_201 = arith.constant 0.000000e+00 : f32
      %broadcast_in_dim3A_202 = vector.broadcast %broadcast_in_dim3A_201 : f32 to vector<16xf32>
      %broadcast_in_dim3A_203 = arith.constant 0.000000e+00 : f32
      %broadcast_in_dim3A_204 = vector.broadcast %broadcast_in_dim3A_203 : f32 to vector<16xf32>
      %broadcast_in_dim3A_205 = arith.constant 0.000000e+00 : f32
      %broadcast_in_dim3A_206 = vector.broadcast %broadcast_in_dim3A_205 : f32 to vector<16xf32>
      %broadcast_in_dim3A_207 = arith.constant 0.000000e+00 : f32
      %broadcast_in_dim3A_208 = vector.broadcast %broadcast_in_dim3A_207 : f32 to vector<16xf32>
      %broadcast_in_dim3A_209 = arith.constant 0.000000e+00 : f32
      %broadcast_in_dim3A_210 = vector.broadcast %broadcast_in_dim3A_209 : f32 to vector<16xf32>
      %broadcast_in_dim3A_211 = arith.constant 0.000000e+00 : f32
      %broadcast_in_dim3A_212 = vector.broadcast %broadcast_in_dim3A_211 : f32 to vector<16xf32>
      %broadcast_in_dim3A_213 = arith.constant 0.000000e+00 : f32
      %broadcast_in_dim3A_214 = vector.broadcast %broadcast_in_dim3A_213 : f32 to vector<16xf32>
      %broadcast_in_dim3A_215 = arith.constant 0.000000e+00 : f32
      %broadcast_in_dim3A_216 = vector.broadcast %broadcast_in_dim3A_215 : f32 to vector<16xf32>
      %scan3A_217 = arith.constant 0 : i32
      %scan3A_218 = arith.constant 50 : i32
      %scan3A_219 = arith.addi %scan3A_217, %scan3A_218 : i32
      %scan3A_220 = arith.constant 1 : i32
      %scan3A_221:8 = scf.for %scan3A_336 = %scan3A_217 to %scan3A_219 step %scan3A_220 iter_args(%scan3A_337 = %broadcast_in_dim3A_202, %scan3A_338 = %broadcast_in_dim3A_204, %scan3A_339 = %broadcast_in_dim3A_206, %scan3A_340 = %broadcast_in_dim3A_208, %scan3A_341 = %broadcast_in_dim3A_210, %scan3A_342 = %broadcast_in_dim3A_212, %scan3A_343 = %broadcast_in_dim3A_214, %scan3A_344 = %broadcast_in_dim3A_216) -> (vector<16xf32>, vector<16xf32>, vector<16xf32>, vector<16xf32>, vector<16xf32>, vector<16xf32>, vector<16xf32>, vector<16xf32>)  : i32 {
        %add3A_345 = arith.constant 0 : i32
        %add3A_346 = arith.addi %add3A_345, %scan3A_336 : i32
        %get3A = arith.constant 1 : i32
        %get3A_347 = arith.index_cast %get3A : i32 to index
        %get3A_348 = arith.index_cast %add3A_346 : i32 to index
        %get3A_349 = arith.constant 0 : index
        %get3A_350 = tpu.vector_load %arg6[%get3A_347, %get3A_348, %get3A_349] {strides = array<i32>} : memref<2x100x128xf32, #tpu.memory_space<vmem>>, vector<1x1x16xf32>,
        %get3A_351 = vector.shape_cast %get3A_350 : vector<1x1x16xf32> to vector<16xf32>
        %add3A_352 = arith.addf %scan3A_337, %get3A_351 : vector<16xf32>
        %get3A_353 = arith.constant 1 : i32
        %get3A_354 = arith.index_cast %get3A_353 : i32 to index
        %get3A_355 = arith.index_cast %add3A_346 : i32 to index
        %get3A_356 = arith.constant 16 : index
        %get3A_357 = tpu.vector_load %arg6[%get3A_354, %get3A_355, %get3A_356] {strides = array<i32>} : memref<2x100x128xf32, #tpu.memory_space<vmem>>, vector<1x1x16xf32>,
        %get3A_358 = vector.shape_cast %get3A_357 : vector<1x1x16xf32> to vector<16xf32>
        %add3A_359 = arith.addf %scan3A_338, %get3A_358 : vector<16xf32>
        %get3A_360 = arith.constant 1 : i32
        %get3A_361 = arith.index_cast %get3A_360 : i32 to index
        %get3A_362 = arith.index_cast %add3A_346 : i32 to index
        %get3A_363 = arith.constant 32 : index
        %get3A_364 = tpu.vector_load %arg6[%get3A_361, %get3A_362, %get3A_363] {strides = array<i32>} : memref<2x100x128xf32, #tpu.memory_space<vmem>>, vector<1x1x16xf32>,
        %get3A_365 = vector.shape_cast %get3A_364 : vector<1x1x16xf32> to vector<16xf32>
        %add3A_366 = arith.addf %scan3A_339, %get3A_365 : vector<16xf32>
        %get3A_367 = arith.constant 1 : i32
        %get3A_368 = arith.index_cast %get3A_367 : i32 to index
        %get3A_369 = arith.index_cast %add3A_346 : i32 to index
        %get3A_370 = arith.constant 48 : index
        %get3A_371 = tpu.vector_load %arg6[%get3A_368, %get3A_369, %get3A_370] {strides = array<i32>} : memref<2x100x128xf32, #tpu.memory_space<vmem>>, vector<1x1x16xf32>,
        %get3A_372 = vector.shape_cast %get3A_371 : vector<1x1x16xf32> to vector<16xf32>
        %add3A_373 = arith.addf %scan3A_340, %get3A_372 : vector<16xf32>
        %get3A_374 = arith.constant 1 : i32
        %get3A_375 = arith.index_cast %get3A_374 : i32 to index
        %get3A_376 = arith.index_cast %add3A_346 : i32 to index
        %get3A_377 = arith.constant 64 : index
        %get3A_378 = tpu.vector_load %arg6[%get3A_375, %get3A_376, %get3A_377] {strides = array<i32>} : memref<2x100x128xf32, #tpu.memory_space<vmem>>, vector<1x1x16xf32>,
        %get3A_379 = vector.shape_cast %get3A_378 : vector<1x1x16xf32> to vector<16xf32>
        %add3A_380 = arith.addf %scan3A_341, %get3A_379 : vector<16xf32>
        %get3A_381 = arith.constant 1 : i32
        %get3A_382 = arith.index_cast %get3A_381 : i32 to index
        %get3A_383 = arith.index_cast %add3A_346 : i32 to index
        %get3A_384 = arith.constant 80 : index
        %get3A_385 = tpu.vector_load %arg6[%get3A_382, %get3A_383, %get3A_384] {strides = array<i32>} : memref<2x100x128xf32, #tpu.memory_space<vmem>>, vector<1x1x16xf32>,
        %get3A_386 = vector.shape_cast %get3A_385 : vector<1x1x16xf32> to vector<16xf32>
        %add3A_387 = arith.addf %scan3A_342, %get3A_386 : vector<16xf32>
        %get3A_388 = arith.constant 1 : i32
        %get3A_389 = arith.index_cast %get3A_388 : i32 to index
        %get3A_390 = arith.index_cast %add3A_346 : i32 to index
        %get3A_391 = arith.constant 96 : index
        %get3A_392 = tpu.vector_load %arg6[%get3A_389, %get3A_390, %get3A_391] {strides = array<i32>} : memref<2x100x128xf32, #tpu.memory_space<vmem>>, vector<1x1x16xf32>,
        %get3A_393 = vector.shape_cast %get3A_392 : vector<1x1x16xf32> to vector<16xf32>
        %add3A_394 = arith.addf %scan3A_343, %get3A_393 : vector<16xf32>
        %get3A_395 = arith.constant 1 : i32
        %get3A_396 = arith.index_cast %get3A_395 : i32 to index
        %get3A_397 = arith.index_cast %add3A_346 : i32 to index
        %get3A_398 = arith.constant 112 : index
        %get3A_399 = tpu.vector_load %arg6[%get3A_396, %get3A_397, %get3A_398] {strides = array<i32>} : memref<2x100x128xf32, #tpu.memory_space<vmem>>, vector<1x1x16xf32>,
        %get3A_400 = vector.shape_cast %get3A_399 : vector<1x1x16xf32> to vector<16xf32>
        %add3A_401 = arith.addf %scan3A_344, %get3A_400 : vector<16xf32>
        scf.yield %add3A_352, %add3A_359, %add3A_366, %add3A_373, %add3A_380, %add3A_387, %add3A_394, %add3A_401 : vector<16xf32>, vector<16xf32>, vector<16xf32>, vector<16xf32>, vector<16xf32>, vector<16xf32>, vector<16xf32>, vector<16xf32>
      }
      %scan3A_222 = arith.constant 50 : i32
      %swap3A_223 = arith.index_cast %add3A_200 : i32 to index
      %swap3A_224 = arith.constant 0 : index
      %swap3A_225 = tpu.vector_load %arg7[%swap3A_223, %swap3A_224] {strides = array<i32>} : memref<128x128xf32, #tpu.memory_space<vmem>>, vector<1x16xf32>,
      %swap3A_226 = vector.shape_cast %swap3A_225 : vector<1x16xf32> to vector<16xf32>
      %swap3A_227 = vector.shape_cast %scan3A_221#0 : vector<16xf32> to vector<1x16xf32>
      tpu.vector_store %arg7[%swap3A_223, %swap3A_224], %swap3A_227 {strides = array<i32>} : memref<128x128xf32, #tpu.memory_space<vmem>>, vector<1x16xf32>,
      %swap3A_228 = arith.index_cast %add3A_200 : i32 to index
      %swap3A_229 = arith.constant 16 : index
      %swap3A_230 = tpu.vector_load %arg7[%swap3A_228, %swap3A_229] {strides = array<i32>} : memref<128x128xf32, #tpu.memory_space<vmem>>, vector<1x16xf32>,
      %swap3A_231 = vector.shape_cast %swap3A_230 : vector<1x16xf32> to vector<16xf32>
      %swap3A_232 = vector.shape_cast %scan3A_221#1 : vector<16xf32> to vector<1x16xf32>
      tpu.vector_store %arg7[%swap3A_228, %swap3A_229], %swap3A_232 {strides = array<i32>} : memref<128x128xf32, #tpu.memory_space<vmem>>, vector<1x16xf32>,
      %swap3A_233 = arith.index_cast %add3A_200 : i32 to index
      %swap3A_234 = arith.constant 32 : index
      %swap3A_235 = tpu.vector_load %arg7[%swap3A_233, %swap3A_234] {strides = array<i32>} : memref<128x128xf32, #tpu.memory_space<vmem>>, vector<1x16xf32>,
      %swap3A_236 = vector.shape_cast %swap3A_235 : vector<1x16xf32> to vector<16xf32>
      %swap3A_237 = vector.shape_cast %scan3A_221#2 : vector<16xf32> to vector<1x16xf32>
      tpu.vector_store %arg7[%swap3A_233, %swap3A_234], %swap3A_237 {strides = array<i32>} : memref<128x128xf32, #tpu.memory_space<vmem>>, vector<1x16xf32>,
      %swap3A_238 = arith.index_cast %add3A_200 : i32 to index
      %swap3A_239 = arith.constant 48 : index
      %swap3A_240 = tpu.vector_load %arg7[%swap3A_238, %swap3A_239] {strides = array<i32>} : memref<128x128xf32, #tpu.memory_space<vmem>>, vector<1x16xf32>,
      %swap3A_241 = vector.shape_cast %swap3A_240 : vector<1x16xf32> to vector<16xf32>
      %swap3A_242 = vector.shape_cast %scan3A_221#3 : vector<16xf32> to vector<1x16xf32>
      tpu.vector_store %arg7[%swap3A_238, %swap3A_239], %swap3A_242 {strides = array<i32>} : memref<128x128xf32, #tpu.memory_space<vmem>>, vector<1x16xf32>,
      %swap3A_243 = arith.index_cast %add3A_200 : i32 to index
      %swap3A_244 = arith.constant 64 : index
      %swap3A_245 = tpu.vector_load %arg7[%swap3A_243, %swap3A_244] {strides = array<i32>} : memref<128x128xf32, #tpu.memory_space<vmem>>, vector<1x16xf32>,
      %swap3A_246 = vector.shape_cast %swap3A_245 : vector<1x16xf32> to vector<16xf32>
      %swap3A_247 = vector.shape_cast %scan3A_221#4 : vector<16xf32> to vector<1x16xf32>
      tpu.vector_store %arg7[%swap3A_243, %swap3A_244], %swap3A_247 {strides = array<i32>} : memref<128x128xf32, #tpu.memory_space<vmem>>, vector<1x16xf32>,
      %swap3A_248 = arith.index_cast %add3A_200 : i32 to index
      %swap3A_249 = arith.constant 80 : index
      %swap3A_250 = tpu.vector_load %arg7[%swap3A_248, %swap3A_249] {strides = array<i32>} : memref<128x128xf32, #tpu.memory_space<vmem>>, vector<1x16xf32>,
      %swap3A_251 = vector.shape_cast %swap3A_250 : vector<1x16xf32> to vector<16xf32>
      %swap3A_252 = vector.shape_cast %scan3A_221#5 : vector<16xf32> to vector<1x16xf32>
      tpu.vector_store %arg7[%swap3A_248, %swap3A_249], %swap3A_252 {strides = array<i32>} : memref<128x128xf32, #tpu.memory_space<vmem>>, vector<1x16xf32>,
      %swap3A_253 = arith.index_cast %add3A_200 : i32 to index
      %swap3A_254 = arith.constant 96 : index
      %swap3A_255 = tpu.vector_load %arg7[%swap3A_253, %swap3A_254] {strides = array<i32>} : memref<128x128xf32, #tpu.memory_space<vmem>>, vector<1x16xf32>,
      %swap3A_256 = vector.shape_cast %swap3A_255 : vector<1x16xf32> to vector<16xf32>
      %swap3A_257 = vector.shape_cast %scan3A_221#6 : vector<16xf32> to vector<1x16xf32>
      tpu.vector_store %arg7[%swap3A_253, %swap3A_254], %swap3A_257 {strides = array<i32>} : memref<128x128xf32, #tpu.memory_space<vmem>>, vector<1x16xf32>,
      %swap3A_258 = arith.index_cast %add3A_200 : i32 to index
      %swap3A_259 = arith.constant 112 : index
      %swap3A_260 = tpu.vector_load %arg7[%swap3A_258, %swap3A_259] {strides = array<i32>} : memref<128x128xf32, #tpu.memory_space<vmem>>, vector<1x16xf32>,
      %swap3A_261 = vector.shape_cast %swap3A_260 : vector<1x16xf32> to vector<16xf32>
      %swap3A_262 = vector.shape_cast %scan3A_221#7 : vector<16xf32> to vector<1x16xf32>
      tpu.vector_store %arg7[%swap3A_258, %swap3A_259], %swap3A_262 {strides = array<i32>} : memref<128x128xf32, #tpu.memory_space<vmem>>, vector<1x16xf32>,
      %mul3A_263 = arith.constant 2 : i32
      %mul3A_264 = arith.muli %add3A_185, %mul3A_263 : i32
      %add3A_265 = arith.constant 1 : i32
      %add3A_266 = arith.addi %mul3A_264, %add3A_265 : i32
      %broadcast_in_dim3A_267 = arith.constant 0.000000e+00 : f32
      %broadcast_in_dim3A_268 = vector.broadcast %broadcast_in_dim3A_267 : f32 to vector<16xf32>
      %broadcast_in_dim3A_269 = arith.constant 0.000000e+00 : f32
      %broadcast_in_dim3A_270 = vector.broadcast %broadcast_in_dim3A_269 : f32 to vector<16xf32>
      %broadcast_in_dim3A_271 = arith.constant 0.000000e+00 : f32
      %broadcast_in_dim3A_272 = vector.broadcast %broadcast_in_dim3A_271 : f32 to vector<16xf32>
      %broadcast_in_dim3A_273 = arith.constant 0.000000e+00 : f32
      %broadcast_in_dim3A_274 = vector.broadcast %broadcast_in_dim3A_273 : f32 to vector<16xf32>
      %broadcast_in_dim3A_275 = arith.constant 0.000000e+00 : f32
      %broadcast_in_dim3A_276 = vector.broadcast %broadcast_in_dim3A_275 : f32 to vector<16xf32>
      %broadcast_in_dim3A_277 = arith.constant 0.000000e+00 : f32
      %broadcast_in_dim3A_278 = vector.broadcast %broadcast_in_dim3A_277 : f32 to vector<16xf32>
      %broadcast_in_dim3A_279 = arith.constant 0.000000e+00 : f32
      %broadcast_in_dim3A_280 = vector.broadcast %broadcast_in_dim3A_279 : f32 to vector<16xf32>
      %broadcast_in_dim3A_281 = arith.constant 0.000000e+00 : f32
      %broadcast_in_dim3A_282 = vector.broadcast %broadcast_in_dim3A_281 : f32 to vector<16xf32>
      %scan3A_283 = arith.constant 0 : i32
      %scan3A_284 = arith.constant 50 : i32
      %scan3A_285 = arith.addi %scan3A_283, %scan3A_284 : i32
      %scan3A_286 = arith.constant 1 : i32
      %scan3A_287:8 = scf.for %scan3A_336 = %scan3A_283 to %scan3A_285 step %scan3A_286 iter_args(%scan3A_337 = %broadcast_in_dim3A_268, %scan3A_338 = %broadcast_in_dim3A_270, %scan3A_339 = %broadcast_in_dim3A_272, %scan3A_340 = %broadcast_in_dim3A_274, %scan3A_341 = %broadcast_in_dim3A_276, %scan3A_342 = %broadcast_in_dim3A_278, %scan3A_343 = %broadcast_in_dim3A_280, %scan3A_344 = %broadcast_in_dim3A_282) -> (vector<16xf32>, vector<16xf32>, vector<16xf32>, vector<16xf32>, vector<16xf32>, vector<16xf32>, vector<16xf32>, vector<16xf32>)  : i32 {
        %add3A_345 = arith.constant 50 : i32
        %add3A_346 = arith.addi %add3A_345, %scan3A_336 : i32
        %get3A = arith.constant 1 : i32
        %get3A_347 = arith.index_cast %get3A : i32 to index
        %get3A_348 = arith.index_cast %add3A_346 : i32 to index
        %get3A_349 = arith.constant 0 : index
        %get3A_350 = tpu.vector_load %arg6[%get3A_347, %get3A_348, %get3A_349] {strides = array<i32>} : memref<2x100x128xf32, #tpu.memory_space<vmem>>, vector<1x1x16xf32>,
        %get3A_351 = vector.shape_cast %get3A_350 : vector<1x1x16xf32> to vector<16xf32>
        %add3A_352 = arith.addf %scan3A_337, %get3A_351 : vector<16xf32>
        %get3A_353 = arith.constant 1 : i32
        %get3A_354 = arith.index_cast %get3A_353 : i32 to index
        %get3A_355 = arith.index_cast %add3A_346 : i32 to index
        %get3A_356 = arith.constant 16 : index
        %get3A_357 = tpu.vector_load %arg6[%get3A_354, %get3A_355, %get3A_356] {strides = array<i32>} : memref<2x100x128xf32, #tpu.memory_space<vmem>>, vector<1x1x16xf32>,
        %get3A_358 = vector.shape_cast %get3A_357 : vector<1x1x16xf32> to vector<16xf32>
        %add3A_359 = arith.addf %scan3A_338, %get3A_358 : vector<16xf32>
        %get3A_360 = arith.constant 1 : i32
        %get3A_361 = arith.index_cast %get3A_360 : i32 to index
        %get3A_362 = arith.index_cast %add3A_346 : i32 to index
        %get3A_363 = arith.constant 32 : index
        %get3A_364 = tpu.vector_load %arg6[%get3A_361, %get3A_362, %get3A_363] {strides = array<i32>} : memref<2x100x128xf32, #tpu.memory_space<vmem>>, vector<1x1x16xf32>,
        %get3A_365 = vector.shape_cast %get3A_364 : vector<1x1x16xf32> to vector<16xf32>
        %add3A_366 = arith.addf %scan3A_339, %get3A_365 : vector<16xf32>
        %get3A_367 = arith.constant 1 : i32
        %get3A_368 = arith.index_cast %get3A_367 : i32 to index
        %get3A_369 = arith.index_cast %add3A_346 : i32 to index
        %get3A_370 = arith.constant 48 : index
        %get3A_371 = tpu.vector_load %arg6[%get3A_368, %get3A_369, %get3A_370] {strides = array<i32>} : memref<2x100x128xf32, #tpu.memory_space<vmem>>, vector<1x1x16xf32>,
        %get3A_372 = vector.shape_cast %get3A_371 : vector<1x1x16xf32> to vector<16xf32>
        %add3A_373 = arith.addf %scan3A_340, %get3A_372 : vector<16xf32>
        %get3A_374 = arith.constant 1 : i32
        %get3A_375 = arith.index_cast %get3A_374 : i32 to index
        %get3A_376 = arith.index_cast %add3A_346 : i32 to index
        %get3A_377 = arith.constant 64 : index
        %get3A_378 = tpu.vector_load %arg6[%get3A_375, %get3A_376, %get3A_377] {strides = array<i32>} : memref<2x100x128xf32, #tpu.memory_space<vmem>>, vector<1x1x16xf32>,
        %get3A_379 = vector.shape_cast %get3A_378 : vector<1x1x16xf32> to vector<16xf32>
        %add3A_380 = arith.addf %scan3A_341, %get3A_379 : vector<16xf32>
        %get3A_381 = arith.constant 1 : i32
        %get3A_382 = arith.index_cast %get3A_381 : i32 to index
        %get3A_383 = arith.index_cast %add3A_346 : i32 to index
        %get3A_384 = arith.constant 80 : index
        %get3A_385 = tpu.vector_load %arg6[%get3A_382, %get3A_383, %get3A_384] {strides = array<i32>} : memref<2x100x128xf32, #tpu.memory_space<vmem>>, vector<1x1x16xf32>,
        %get3A_386 = vector.shape_cast %get3A_385 : vector<1x1x16xf32> to vector<16xf32>
        %add3A_387 = arith.addf %scan3A_342, %get3A_386 : vector<16xf32>
        %get3A_388 = arith.constant 1 : i32
        %get3A_389 = arith.index_cast %get3A_388 : i32 to index
        %get3A_390 = arith.index_cast %add3A_346 : i32 to index
        %get3A_391 = arith.constant 96 : index
        %get3A_392 = tpu.vector_load %arg6[%get3A_389, %get3A_390, %get3A_391] {strides = array<i32>} : memref<2x100x128xf32, #tpu.memory_space<vmem>>, vector<1x1x16xf32>,
        %get3A_393 = vector.shape_cast %get3A_392 : vector<1x1x16xf32> to vector<16xf32>
        %add3A_394 = arith.addf %scan3A_343, %get3A_393 : vector<16xf32>
        %get3A_395 = arith.constant 1 : i32
        %get3A_396 = arith.index_cast %get3A_395 : i32 to index
        %get3A_397 = arith.index_cast %add3A_346 : i32 to index
        %get3A_398 = arith.constant 112 : index
        %get3A_399 = tpu.vector_load %arg6[%get3A_396, %get3A_397, %get3A_398] {strides = array<i32>} : memref<2x100x128xf32, #tpu.memory_space<vmem>>, vector<1x1x16xf32>,
        %get3A_400 = vector.shape_cast %get3A_399 : vector<1x1x16xf32> to vector<16xf32>
        %add3A_401 = arith.addf %scan3A_344, %get3A_400 : vector<16xf32>
        scf.yield %add3A_352, %add3A_359, %add3A_366, %add3A_373, %add3A_380, %add3A_387, %add3A_394, %add3A_401 : vector<16xf32>, vector<16xf32>, vector<16xf32>, vector<16xf32>, vector<16xf32>, vector<16xf32>, vector<16xf32>, vector<16xf32>
      }
      %scan3A_288 = arith.constant 50 : i32
      %swap3A_289 = arith.index_cast %add3A_266 : i32 to index
      %swap3A_290 = arith.constant 0 : index
      %swap3A_291 = tpu.vector_load %arg7[%swap3A_289, %swap3A_290] {strides = array<i32>} : memref<128x128xf32, #tpu.memory_space<vmem>>, vector<1x16xf32>,
      %swap3A_292 = vector.shape_cast %swap3A_291 : vector<1x16xf32> to vector<16xf32>
      %swap3A_293 = vector.shape_cast %scan3A_287#0 : vector<16xf32> to vector<1x16xf32>
      tpu.vector_store %arg7[%swap3A_289, %swap3A_290], %swap3A_293 {strides = array<i32>} : memref<128x128xf32, #tpu.memory_space<vmem>>, vector<1x16xf32>,
      %swap3A_294 = arith.index_cast %add3A_266 : i32 to index
      %swap3A_295 = arith.constant 16 : index
      %swap3A_296 = tpu.vector_load %arg7[%swap3A_294, %swap3A_295] {strides = array<i32>} : memref<128x128xf32, #tpu.memory_space<vmem>>, vector<1x16xf32>,
      %swap3A_297 = vector.shape_cast %swap3A_296 : vector<1x16xf32> to vector<16xf32>
      %swap3A_298 = vector.shape_cast %scan3A_287#1 : vector<16xf32> to vector<1x16xf32>
      tpu.vector_store %arg7[%swap3A_294, %swap3A_295], %swap3A_298 {strides = array<i32>} : memref<128x128xf32, #tpu.memory_space<vmem>>, vector<1x16xf32>,
      %swap3A_299 = arith.index_cast %add3A_266 : i32 to index
      %swap3A_300 = arith.constant 32 : index
      %swap3A_301 = tpu.vector_load %arg7[%swap3A_299, %swap3A_300] {strides = array<i32>} : memref<128x128xf32, #tpu.memory_space<vmem>>, vector<1x16xf32>,
      %swap3A_302 = vector.shape_cast %swap3A_301 : vector<1x16xf32> to vector<16xf32>
      %swap3A_303 = vector.shape_cast %scan3A_287#2 : vector<16xf32> to vector<1x16xf32>
      tpu.vector_store %arg7[%swap3A_299, %swap3A_300], %swap3A_303 {strides = array<i32>} : memref<128x128xf32, #tpu.memory_space<vmem>>, vector<1x16xf32>,
      %swap3A_304 = arith.index_cast %add3A_266 : i32 to index
      %swap3A_305 = arith.constant 48 : index
      %swap3A_306 = tpu.vector_load %arg7[%swap3A_304, %swap3A_305] {strides = array<i32>} : memref<128x128xf32, #tpu.memory_space<vmem>>, vector<1x16xf32>,
      %swap3A_307 = vector.shape_cast %swap3A_306 : vector<1x16xf32> to vector<16xf32>
      %swap3A_308 = vector.shape_cast %scan3A_287#3 : vector<16xf32> to vector<1x16xf32>
      tpu.vector_store %arg7[%swap3A_304, %swap3A_305], %swap3A_308 {strides = array<i32>} : memref<128x128xf32, #tpu.memory_space<vmem>>, vector<1x16xf32>,
      %swap3A_309 = arith.index_cast %add3A_266 : i32 to index
      %swap3A_310 = arith.constant 64 : index
      %swap3A_311 = tpu.vector_load %arg7[%swap3A_309, %swap3A_310] {strides = array<i32>} : memref<128x128xf32, #tpu.memory_space<vmem>>, vector<1x16xf32>,
      %swap3A_312 = vector.shape_cast %swap3A_311 : vector<1x16xf32> to vector<16xf32>
      %swap3A_313 = vector.shape_cast %scan3A_287#4 : vector<16xf32> to vector<1x16xf32>
      tpu.vector_store %arg7[%swap3A_309, %swap3A_310], %swap3A_313 {strides = array<i32>} : memref<128x128xf32, #tpu.memory_space<vmem>>, vector<1x16xf32>,
      %swap3A_314 = arith.index_cast %add3A_266 : i32 to index
      %swap3A_315 = arith.constant 80 : index
      %swap3A_316 = tpu.vector_load %arg7[%swap3A_314, %swap3A_315] {strides = array<i32>} : memref<128x128xf32, #tpu.memory_space<vmem>>, vector<1x16xf32>,
      %swap3A_317 = vector.shape_cast %swap3A_316 : vector<1x16xf32> to vector<16xf32>
      %swap3A_318 = vector.shape_cast %scan3A_287#5 : vector<16xf32> to vector<1x16xf32>
      tpu.vector_store %arg7[%swap3A_314, %swap3A_315], %swap3A_318 {strides = array<i32>} : memref<128x128xf32, #tpu.memory_space<vmem>>, vector<1x16xf32>,
      %swap3A_319 = arith.index_cast %add3A_266 : i32 to index
      %swap3A_320 = arith.constant 96 : index
      %swap3A_321 = tpu.vector_load %arg7[%swap3A_319, %swap3A_320] {strides = array<i32>} : memref<128x128xf32, #tpu.memory_space<vmem>>, vector<1x16xf32>,
      %swap3A_322 = vector.shape_cast %swap3A_321 : vector<1x16xf32> to vector<16xf32>
      %swap3A_323 = vector.shape_cast %scan3A_287#6 : vector<16xf32> to vector<1x16xf32>
      tpu.vector_store %arg7[%swap3A_319, %swap3A_320], %swap3A_323 {strides = array<i32>} : memref<128x128xf32, #tpu.memory_space<vmem>>, vector<1x16xf32>,
      %swap3A_324 = arith.index_cast %add3A_266 : i32 to index
      %swap3A_325 = arith.constant 112 : index
      %swap3A_326 = tpu.vector_load %arg7[%swap3A_324, %swap3A_325] {strides = array<i32>} : memref<128x128xf32, #tpu.memory_space<vmem>>, vector<1x16xf32>,
      %swap3A_327 = vector.shape_cast %swap3A_326 : vector<1x16xf32> to vector<16xf32>
      %swap3A_328 = vector.shape_cast %scan3A_287#7 : vector<16xf32> to vector<1x16xf32>
      tpu.vector_store %arg7[%swap3A_324, %swap3A_325], %swap3A_328 {strides = array<i32>} : memref<128x128xf32, #tpu.memory_space<vmem>>, vector<1x16xf32>,
      %add3A_329 = arith.constant 2 : i32
      %add3A_330 = arith.addi %add3A_185, %add3A_329 : i32
      %lt3A_331 = arith.constant 64 : i32
      %lt3A_332 = arith.cmpi slt, %add3A_330, %lt3A_331 : i32
      %convert_element_type3A_333 = arith.extui %lt3A_332 : i1 to i32
      %cond3A_334 = arith.constant 0 : i32
      %cond3A_335 = arith.cmpi ne, %convert_element_type3A_333, %cond3A_334 : i32
      scf.if %cond3A_335 {
        %add3A_336 = arith.constant 2 : i32
        %add3A_337 = arith.addi %add3A_185, %add3A_336 : i32
        %dma_start3A_338 = arith.constant 1 : i32
        %dma_start3A_339 = arith.constant 0 : i32
        %dma_start3A_340 = arith.constant 0 : i32
        %dma_start3A_341 = tpu.memref_slice %arg6[%dma_start3A_338, %dma_start3A_339, %dma_start3A_340] : memref<2x100x128xf32, #tpu.memory_space<vmem>> -> memref<1x100x128xf32, #tpu.memory_space<vmem>>
        %dma_start3A_342 = tpu.memref_squeeze %dma_start3A_341 : memref<1x100x128xf32, #tpu.memory_space<vmem>> -> memref<100x128xf32, #tpu.memory_space<vmem>>
        %dma_start3A_343 = arith.constant 0 : i32
        %dma_start3A_344 = tpu.memref_slice %arg5[%add3A_337, %dma_start3A_343] : memref<64x100xi32, #tpu.memory_space<vmem>> -> memref<1x100xi32, #tpu.memory_space<vmem>>
        %dma_start3A_345 = tpu.memref_squeeze %dma_start3A_344 : memref<1x100xi32, #tpu.memory_space<vmem>> -> memref<100xi32, #tpu.memory_space<vmem>>
        %dma_start3A_346 = arith.constant 0 : i32
        %dma_start3A_347 = arith.constant 0 : i32
        %dma_start3A_348 = tpu.memref_slice %arg3[%dma_start3A_346, %dma_start3A_347] : memref<100000x128xf32, #tpu.memory_space<hbm>> -> memref<100000x128xf32, #tpu.memory_space<hbm>>
        tpu.enqueue_indirect_dma source(%dma_start3A_348 : memref<100000x128xf32, #tpu.memory_space<hbm>>) target(%dma_start3A_342 : memref<100x128xf32, #tpu.memory_space<vmem>>) offsets(%dma_start3A_345 : memref<100xi32, #tpu.memory_space<vmem>>) semaphore(%arg9 : memref<!tpu.dma_semaphore, #tpu.memory_space<semaphore_mem>>)
      } else {
      }
    }
    %scan3A_30 = arith.constant 32 : i32
    %mul3A_31 = arith.constant 128 : i32
    %mul3A_32 = arith.muli %add3A, %mul3A_31 : i32
    "tpu.region"() ({
      %run_scoped3A = tpu.sem_alloc : memref<!tpu.dma_semaphore, #tpu.memory_space<semaphore_mem>>
      %dma_start3A_33 = arith.constant 0 : i32
      %dma_start3A_34 = tpu.memref_slice %arg4[%mul3A_32, %dma_start3A_33] : memref<4096x128xf32, #tpu.memory_space<hbm>> -> memref<128x128xf32, #tpu.memory_space<hbm>>
      %dma_start3A_35 = arith.constant 0 : i32
      %dma_start3A_36 = tpu.memref_slice %arg4[%mul3A_32, %dma_start3A_35] : memref<4096x128xf32, #tpu.memory_space<hbm>> -> memref<128x128xf32, #tpu.memory_space<hbm>>
      tpu.enqueue_dma source(%arg7 : memref<128x128xf32, #tpu.memory_space<vmem>>) target(%dma_start3A_36 : memref<128x128xf32, #tpu.memory_space<hbm>>) target_semaphore(%run_scoped3A : memref<!tpu.dma_semaphore, #tpu.memory_space<semaphore_mem>>)
      %dma_wait3A = arith.constant 0 : i32
      %dma_wait3A_37 = tpu.memref_slice %arg4[%mul3A_32, %dma_wait3A] : memref<4096x128xf32, #tpu.memory_space<hbm>> -> memref<128x128xf32, #tpu.memory_space<hbm>>
      %dma_wait3A_38 = arith.constant 0 : i32
      %dma_wait3A_39 = tpu.memref_slice %arg4[%mul3A_32, %dma_wait3A_38] : memref<4096x128xf32, #tpu.memory_space<hbm>> -> memref<128x128xf32, #tpu.memory_space<hbm>>
      tpu.wait_dma2 semaphore(%run_scoped3A : memref<!tpu.dma_semaphore, #tpu.memory_space<semaphore_mem>>) src(%arg7 : memref<128x128xf32, #tpu.memory_space<vmem>>) dst(%dma_wait3A_39 : memref<128x128xf32, #tpu.memory_space<hbm>>)
      tpu.yield
    }) : () -> ()
    return
  }
}

module attributes {stable_mosaic.version = 14 : i64} {
  func.func @_tc_body(%arg0: memref<4096x128xf32, #tpu.memory_space<vmem>>, %arg1: memref<1x128xf32, #tpu.memory_space<vmem>>, %arg2: memref<1x1xf32, #tpu.memory_space<vmem>>, %arg3: memref<4096x1xf32, #tpu.memory_space<vmem>>) attributes {dimension_semantics = [], scalar_prefetch = 0 : i64, scratch_operands = 0 : i64, tpu.core_type = #tpu.core_type<tc>} {
    %get3A = arith.constant 0 : index
    %get3A_0 = arith.constant 0 : index
    %get3A_1 = vector.load %arg0[%get3A, %get3A_0] : memref<4096x128xf32, #tpu.memory_space<vmem>>, vector<4096x128xf32>
    %mul3A = arith.constant 2.000000e-02 : f32
    %mul3A_2 = vector.broadcast %mul3A : f32 to vector<4096x128xf32>
    %mul3A_3 = arith.mulf %get3A_1, %mul3A_2 : vector<4096x128xf32>
    %neg3A = arith.constant 0.000000e+00 : f32
    %neg3A_4 = vector.broadcast %neg3A : f32 to vector<4096x128xf32>
    %neg3A_5 = arith.subf %neg3A_4, %mul3A_3 : vector<4096x128xf32>
    %exp3A = math.exp %neg3A_5 : vector<4096x128xf32>
    %add3A = arith.constant 1.000000e+00 : f32
    %add3A_6 = vector.broadcast %add3A : f32 to vector<4096x128xf32>
    %add3A_7 = arith.addf %add3A_6, %exp3A : vector<4096x128xf32>
    %div3A = arith.constant 1.000000e+00 : f32
    %div3A_8 = vector.broadcast %div3A : f32 to vector<4096x128xf32>
    %div3A_9 = arith.divf %div3A_8, %add3A_7 : vector<4096x128xf32>
    %get3A_10 = arith.constant 0 : index
    %get3A_11 = arith.constant 0 : index
    %get3A_12 = vector.load %arg1[%get3A_10, %get3A_11] : memref<1x128xf32, #tpu.memory_space<vmem>>, vector<1x128xf32>
    %mul3A_13 = vector.broadcast %get3A_12 : vector<1x128xf32> to vector<4096x128xf32>
    %mul3A_14 = arith.mulf %div3A_9, %mul3A_13 : vector<4096x128xf32>
    %reduce_sum3A = arith.constant dense<0.000000e+00> : vector<4096xf32>
    %reduce_sum3A_15 = vector.multi_reduction <add>, %mul3A_14, %reduce_sum3A [1] : vector<4096x128xf32> to vector<4096xf32>
    %broadcast_in_dim3A = vector.shape_cast %reduce_sum3A_15 : vector<4096xf32> to vector<4096x1xf32>
    %get3A_16 = arith.constant 0 : index
    %get3A_17 = arith.constant 0 : index
    %get3A_18 = vector.load %arg2[%get3A_16, %get3A_17] : memref<1x1xf32, #tpu.memory_space<vmem>>, vector<1x1xf32>
    %get3A_19 = vector.extract %get3A_18[0, 0] : f32 from vector<1x1xf32>
    %add3A_20 = vector.broadcast %get3A_19 : f32 to vector<4096x1xf32>
    %add3A_21 = arith.addf %broadcast_in_dim3A, %add3A_20 : vector<4096x1xf32>
    %neg3A_22 = arith.constant 0.000000e+00 : f32
    %neg3A_23 = vector.broadcast %neg3A_22 : f32 to vector<4096x1xf32>
    %neg3A_24 = arith.subf %neg3A_23, %add3A_21 : vector<4096x1xf32>
    %exp3A_25 = math.exp %neg3A_24 : vector<4096x1xf32>
    %add3A_26 = arith.constant 1.000000e+00 : f32
    %add3A_27 = vector.broadcast %add3A_26 : f32 to vector<4096x1xf32>
    %add3A_28 = arith.addf %add3A_27, %exp3A_25 : vector<4096x1xf32>
    %div3A_29 = arith.constant 1.000000e+00 : f32
    %div3A_30 = vector.broadcast %div3A_29 : f32 to vector<4096x1xf32>
    %div3A_31 = arith.divf %div3A_30, %add3A_28 : vector<4096x1xf32>
    %swap3A = arith.constant 0 : index
    %swap3A_32 = arith.constant 0 : index
    %swap3A_33 = vector.load %arg3[%swap3A, %swap3A_32] : memref<4096x1xf32, #tpu.memory_space<vmem>>, vector<4096x1xf32>
    tpu.vector_store %arg3[%swap3A, %swap3A_32], %div3A_31 {strides = array<i32>} : memref<4096x1xf32, #tpu.memory_space<vmem>>, vector<4096x1xf32>,
    return
  }
}

</mosaic_0001>

<sc_bundles>
// kernel: _run.4.cloned.1.call-start
scs
__scs_entry_jumppad:
0x0: {  	(pc) =	sbr.rel $0x88, $3  }
0x1: {  	(tag) =	ssettag $0x0;
	lr =	simm.s32 $0x1  }
0x2: {  	[smem:$0x3F9D] =	sst lr;
	_ =	strace $0xD0000000  }
0x3: {  	_ = 	snop  }
0x4: {  	_ = 	snop  }
0x5: {  	_ = 	snop  }
0x6: {  	_ = 	snop  }
0x7: {  	_ = 	snop  }
__scs_overlays_trampoline_lowered:
0x8: {  	[smem:$0x3FAC] =	sst s0  }
0x9: {  	[smem:$0x3FAD] =	sst s1  }
0xa: {  	[smem:$0x3FAE] =	sst s2  }
0xb: {  	[smem:$0x3FAF] =	sst s3  }
0xc: {  	[smem:$0x3FB0] =	sst s4  }
0xd: {  	[smem:$0x3FB1] =	sst s5  }
0xe: {  	[smem:$0x3FB2] =	sst s6  }
0xf: {  	[smem:$0x3FB3] =	sst s7  }
0x10: {  	[smem:$0x3FB4] =	sst s8  }
0x11: {  	[smem:$0x3FB5] =	sst s9;
	s0 =	simm.s32 @!p0 $0x0  }
0x12: {  	s1 =	sld [smem:$0x3F9B];
	s0 =	simm.s32 @p0 $0x1  }
0x13: {  	[smem:$0x3FB6] =	sst s0;
	s0 =	simm.s32 @!p1 $0x0  }
0x14: {  	s2 =	sld [smem:$0x3F9A];
	s0 =	simm.s32 @p1 $0x1  }
0x15: {  	[smem:$0x3FB7] =	sst s0;
	s0 =	simm.s32 @!p2 $0x0  }
0x16: {  	s3 =	sld [smem:$0x3FDB];
	s0 =	simm.s32 @p2 $0x1  }
0x17: {  	s4 =	simm.s32 $0x1BF5;
	[smem:$0x3FB9] =	sst s0  }
0x18: {  	s0 =	sld [smem:$0x3F9C];
	_ =	swait.ge [sflag:s4], $0x0  }
0x19: {  	s7 =	sld [smem:$0x3F9D]  }
0x1a: {  	s8 =	sadd.s32 $0xFFFFE003, lr  }
0x1b: {  	s9 =	sadd.s32 $0xFFFFFEF7, lr;
	s5 =	simm.s32 $0xFFFFFFFF;
	p2 =	slt.u32 s8, $0xFFFFF086  }
0x1c: {  	p1 =	slt.u32 s9, $0xF7A;
	s5 =	simm.s32 @!p2 $0x0  }
0x1d: {  	s5 =	simm.s32 @p1 $0x1;
	p0 =	seq.s32 s7, s2  }
0x1e: {  	s7 =	smul.u32 @!p0 $0xF7A, s2;
	p2 =	seq.s32 @!p0 s5, $0x0  }
0x1f: {  	s9 =	smul.u32 $0xF7A, s1;
	s8 =	simm.s32 @!p0 $0x1BF5;
	p2 =	por !p2, p0  }
0x20: {  	[sflag:s8] =	ssyncset.s32 @!p0 $0xFFFFF086;
	s6 =	sadd.s32 @!p0 s3, s7;
	s7 =	simm.s32 @!p0 $0x108  }
0x21: {  	s3 =	sadd.s32 s3, s9;
	s6 =	sadd.s32 @!p0 $0x88, s6;
	s7 =	simm.s32 @p2 $0x1082  }
0x22: {  	[simem:s7], [sflag:s8] =	dma.local @!p0 [hbm:s6], $0xF7A  }
0x23: {  	s9 =	sor.u32 $0xD0000000, s2;
	s6 =	simm.s32 $0x108;
	_ =	swait.ge @!p0 [sflag:s8], $0x0  }
0x24: {  	s3 =	sadd.s32 $0x88, s3;
	s6 =	simm.s32 @!p1 $0x1082;
	[sflag:s4] =	ssyncset.s32 $0xFFFFF086  }
0x25: {  	[simem:s6], [sflag:s4] =	dma.local [hbm:s3], $0xF7A  }
0x26: {  	[smem:$0x3F9D] =	sst s1;
	(tag) =	ssettag s2;
	_ =	strace s9  }
0x27: {  	s1 =	sld [smem:$0x3FAD]  }
0x28: {  	s2 =	sld [smem:$0x3FAE]  }
0x29: {  	s4 =	sld [smem:$0x3FB0]  }
0x2a: {  	p0 =	seq.s32 s5, $0x0;
	s5 =	sld [smem:$0x3FB1]  }
0x2b: {  	s6 =	sld [smem:$0x3FB2]  }
0x2c: {  	s7 =	sld [smem:$0x3FB3]  }
0x2d: {  	s3 =	simm.s32 $0x108;
	s8 =	sld [smem:$0x3FB4]  }
0x2e: {  	s3 =	simm.s32 @!p0 $0x1082;
	s9 =	sld [smem:$0x3FB5]  }
0x2f: {  	lr =	sadd.s32 s0, s3;
	s0 =	sld [smem:$0x3FAC]  }
0x30: {  	s3 =	sld [smem:$0x3FAF]  }
0x31: {  	[smem:$0x3FB8] =	sst s10  }
0x32: {  	s10 =	sld [smem:$0x3FB6];
	_ =	sdelay $0x3  }
0x33: {  	p0 =	seq.s32 s10, $0x1;
	s10 =	sld [smem:$0x3FB8];
	_ =	sdelay $0x3  }
0x34: {  	[smem:$0x3FB8] =	sst s10  }
0x35: {  	s10 =	sld [smem:$0x3FB7];
	_ =	sdelay $0x3  }
0x36: {  	p1 =	seq.s32 s10, $0x1;
	s10 =	sld [smem:$0x3FB8];
	_ =	sdelay $0x3  }
0x37: {  	[smem:$0x3FB8] =	sst s10  }
0x38: {  	s10 =	sld [smem:$0x3FB9]  }
0x39: {  	_ = 	snop;
	(pc) =	sbr.ind lr, $3  }
0x3a: {  	_ = 	snop  }
0x3b: {  	_ = 	snop  }
0x3c: {  	p2 =	seq.s32 s10, $0x1;
	s10 =	sld [smem:$0x3FB8]  }
0x3d: {  	_ =	shalt  }
0x3e: {  	_ =	shalt  }
0x3f: {  	_ =	shalt  }
0x40: {  	_ =	shalt  }
0x41: {  	_ =	shalt  }
0x42: {  	_ =	shalt  }
0x43: {  	_ =	shalt  }
0x44: {  	_ =	shalt  }
0x45: {  	_ =	shalt  }
0x46: {  	_ =	shalt  }
0x47: {  	_ =	shalt  }
0x48: {  	_ =	shalt  }
0x49: {  	_ =	shalt  }
0x4a: {  	_ =	shalt  }
0x4b: {  	_ =	shalt  }
0x4c: {  	_ =	shalt  }
0x4d: {  	_ =	shalt  }
0x4e: {  	_ =	shalt  }
0x4f: {  	_ =	shalt  }
0x50: {  	_ =	shalt  }
0x51: {  	_ =	shalt  }
0x52: {  	_ =	shalt  }
0x53: {  	_ =	shalt  }
0x54: {  	_ =	shalt  }
0x55: {  	_ =	shalt  }
0x56: {  	_ =	shalt  }
0x57: {  	_ =	shalt  }
0x58: {  	_ =	shalt  }
0x59: {  	_ =	shalt  }
0x5a: {  	_ =	shalt  }
0x5b: {  	_ =	shalt  }
0x5c: {  	_ =	shalt  }
0x5d: {  	_ =	shalt  }
0x5e: {  	_ =	shalt  }
0x5f: {  	_ =	shalt  }
0x60: {  	_ =	shalt  }
0x61: {  	_ =	shalt  }
0x62: {  	_ =	shalt  }
0x63: {  	_ =	shalt  }
0x64: {  	_ =	shalt  }
0x65: {  	_ =	shalt  }
0x66: {  	_ =	shalt  }
0x67: {  	_ =	shalt  }
0x68: {  	_ =	shalt  }
0x69: {  	_ =	shalt  }
0x6a: {  	_ =	shalt  }
0x6b: {  	_ =	shalt  }
0x6c: {  	_ =	shalt  }
0x6d: {  	_ =	shalt  }
0x6e: {  	_ =	shalt  }
0x6f: {  	_ =	shalt  }
0x70: {  	_ =	shalt  }
0x71: {  	_ =	shalt  }
0x72: {  	_ =	shalt  }
0x73: {  	_ =	shalt  }
0x74: {  	_ =	shalt  }
0x75: {  	_ =	shalt  }
0x76: {  	_ =	shalt  }
0x77: {  	_ =	shalt  }
0x78: {  	_ =	shalt  }
0x79: {  	_ =	shalt  }
0x7a: {  	_ =	shalt  }
0x7b: {  	_ =	shalt  }
0x7c: {  	_ =	shalt  }
0x7d: {  	_ =	shalt  }
0x7e: {  	_ =	shalt  }
0x7f: {  	_ =	shalt  }
0x80: {  	_ =	shalt  }
0x81: {  	_ =	shalt  }
0x82: {  	_ =	shalt  }
0x83: {  	_ =	shalt  }
0x84: {  	_ =	shalt  }
0x85: {  	_ =	shalt  }
0x86: {  	_ =	shalt  }
0x87: {  	_ =	shalt  }
.Lfunc_end0:
.L_simem_size_0:
called_computation_lowered:
.L_overlay_start_0:
0x88: {  	s2 =	sld [smem:$0x3FD9]  }
0x89: {  	s3 =	sld [smem:$0x3FFE];
	_ =	sdelay $0x1  }
0x8a: {  	s1 =	srdreg.scid  }
0x8b: {  	s0 =	sand.u32 $0x1, s1  }
0x8c: {  	s17 =	sshll.u32 s0, $0xA;
	s2 =	sadd.s32 s3, s2  }
0x8d: {  	s2 =	sadd.s32 s2, s17  }
0x8e: {  	[smem:$0x3FC4] =	sst s2  }
0x8f: {  	_ = 	snop  }
0x90: {  	s2 =	sld [smem:$0x3FC8];
	(tm) =	ssettm $0x1  }
0x91: {  	s18 =	sld [smem:$0x3FFB];
	_ =	sdelay $0x3  }
0x92: {  	_ =	strace s18  }
0x93: {  	s3 =	sld [smem:$0x3FFC];
	_ =	sdelay $0x3  }
0x94: {  	_ =	strace s3  }
0x95: {  	s3 =	sld [smem:$0x3FFD];
	_ =	sdelay $0x3  }
0x96: {  	_ =	strace s3  }
0x97: {  	_ =	strace $0x8FFFFFFF  }
0x98: {  	s19 =	sld [smem:$0x3FDB];
	_ =	sdelay $0x1  }
0x99: {  	s4 =	simm.s32 $_scs_section_size  }
0x9a: {  	s5 =	simm.s32 $_size__tile_overlayer_lowered;
	s6 =	simm.s32 $_tile_overlayer_lowered  }
0x9b: {  	s22 =	simm.s32 $0x1BFF;
	s21 =	sshll.u32 s6, $0x1;
	s3 =	sadd.s32 s4, s19  }
0x9c: {  	s7 =	simm.s32 $0x0;
	s20 =	sshll.u32 s5, $0x1;
	s5 =	sadd.s32 s21, s3  }
0x9d: {  	[timem:s7], [sflag:s22] =	dma.local [hbm:s5], s20  }
0x9e: {  	_ =	swait.ge [sflag:s22], s20  }
0x9f: {  	s4 =	ssub.s32 $0x0, s20;
	[sflag:s22] =	ssyncset.done $0x0  }
0xa0: {  	[sflag:s22] =	ssyncadd.s32 s4;
	_ =	sdelay $0x1  }
0xa1: {  	s23 =	simm.s32 $0x1B8B  }
0xa2: {  	_ =	swait.ge [sflag:s23], $0x1  }
0xa3: {  	[sflag:s23] =	ssyncset.done $0x0  }
0xa4: {  	s25 =	simm.s32 $0x1B8E;
	s24 =	sld [smem:$0x3FFE];
	[sflag:s23] =	ssyncadd.s32 $0xFFFFFFFF  }
0xa5: {  	s26 =	simm.s32 $execute0_lowered;
	[smem:$0x3FD2] =	sst s25  }
0xa6: {  	s5 =	sshll.u32 s26, $0x1;
	_ =	strace $0x80000046;
	[dreg:$0x1] =	wrdreg $0xFFFFFFFF  }
0xa7: {  	s28 =	simm.s32 $_size_execute0_lowered;
	s3 =	sadd.s32 s3, s5;
	[dreg:$0x0] =	wrdreg $0x0  }
0xa8: {  	s5 =	sshll.u32 s28, $0x1;
	[dreg:$0x2] =	wrdreg s3  }
0xa9: {  	[dreg:$0x3] =	wrdreg s5  }
0xaa: {  	[dreg:$0x4] =	wrdreg $0xC0  }
0xab: {  	_ =	task [dreg:s7], $0x5FFFF  }
0xac: {  	[dreg:$0x1] =	wrdreg $0xFFFFFFFF  }
0xad: {  	[dreg:$0x0] =	wrdreg $0x60  }
0xae: {  	[dreg:$0x2] =	wrdreg s24  }
0xaf: {  	[dreg:$0x3] =	wrdreg s2  }
0xb0: {  	[dreg:$0x4] =	wrdreg $0x9  }
0xb1: {  	_ =	task.clear_ibuf [dreg:s7], $0x5FFFF;
	_ =	strace $0x90000046  }
0xb2: {  	s29 =	simm.s32 $0x9;
	_ =	strace $0x80000048  }
0xb3: {  	_ =	swait.ge [sflag:s29], $0x1  }
0xb4: {  	[sflag:s29] =	ssyncadd.s32 $0xFFFFFFFF  }
0xb5: {  	_ =	strace $0x90000048  }
0xb6: {  	_ =	sfence  }
0xb7: {  	s30 =	sld [smem:$0x0];
	_ =	sdelay $0x2  }
0xb8: {  	s31 =	sshll.u32 s1, $0xD;
	s1 =	sshrl.u32 s1, $0x2  }
0xb9: {  	s3 =	sand.u32 $0x4000, s31;
	s1 =	sadd.s32 s1, s30  }
0xba: {  	s0 =	sor.u32 s3, s0;
	s1 =	sshll.u32 s1, $0x11  }
0xbb: {  	s0 =	sor.u32 s1, s0  }
0xbc: {  	s0 =	sadd.s32 $0x8F2B, s0  }
0xbd: {  	[sflag:s0] =	ssyncadd.remote.s32 $0x1  }
0xbe: {  	_ =	sfence.sel $0xFFFF  }
0xbf: {  	[dreg:$0x0] =	wrdreg $0xFFFFFFFF;
	(pc) =	sbr.abs _section_cstart, $3  }
0xc0: {  	[dreg:$0x1] =	wrdreg $0xFFFFFFFF  }
0xc1: {  	_ =	task.clear_ibuf [dreg:s7], $0x2FFFF;
	_ =	strace $0x9FFFFFFF  }
0xc2: {  	(tm) =	ssettm $0x7FFFFFFF  }
0xc3: {  	_ =	shalt  }
tec
execute0_lowered:
.L_overlay_start_1:
0x0: {  	(tag) =	ssettag $0x1  }
0x1: {  	s4 =	rddreg [dreg:$0x0]  }
0x2: {  	s2 =	rddreg [dreg:$0x1]  }
0x3: {  	s0 =	rddreg [dreg:$0x2];
	s3 =	simm.s32 $0x0  }
0x4: {  	s5 =	srdreg.scid;
	s1 =	stileid.u32;
	s9 =	simm.s32 $0x2000  }
0x5: {  	s10 =	simm.s32 $0x80;
	s11 =	simm.s32 $0x5400;
	s12 =	simm.s32 $0x1  }
0x6: {  	s13 =	simm.s32 $0x2;
	s14 =	simm.s32 $0x8800;
	s15 =	simm.s32 $0x0  }
0x7: {  	[smem:$0x7FF] =	sst s3;
	s5 =	sand.u32 $0x1, s5;
	s6 =	sshll.u32 s1, $0x1  }
.Ltmp0:
0x8: {  	_ =	strace $0x80000047;
	s6 =	sor.u32 s5, s6;
	(pc) =	sbr.rel .LBB2_1-.Ltmp0, $4  }
0x9: {  	s5 =	ssub.s32 $0x2, s5;
	s7 =	sshll.u32 s6, $0xA;
	s6 =	sshll.u32 s6, $0xB  }
0xa: {  	s8 =	sshrl.u32 s5, $0x1;
	s7 =	sadd.s32 s7, s4;
	s6 =	sadd.s32 s6, s4  }
0xb: {  	s8 =	ssub.s32 s5, s8;
	s4 =	sadd.s32 $0x800, s7;
	s5 =	sadd.s32 $0x8800, s6  }
0xc: {  	s6 =	smax.u32 s8, $0x1;
	s7 =	simm.s32 $0x3;
	s8 =	simm.s32 $0x64  }
.LBB2_12:
0xd: {  	s15 =	sadd.s32 $0x1, s15  }
0xe: {  	p0 =	sne.s32 s15, s6  }
.Ltmp1:
0xf: {  	_ = 	snop;
	(pc) =	sbr.rel @!p0 .LBB2_13-.Ltmp1, $4  }
0x10: {  	[hbm4b:s5+s3] =	stream.linear.scatter [tilespmem:s14], [sflag:$0x3], $0x4000, $0x38;
	[tilespmem:$0xC800] =	vst v63  }
0x11: {  	_ =	swait.ge [sflag:s7], $0x4000  }
0x12: {  	[sflag:s7] =	ssyncset.done $0x0  }
0x13: {  	[sflag:s7] =	ssyncadd.s32 $0xFFFFC000  }
.LBB2_1:
0x14: {  	[tilespmem:s3], [sflag:$0x3] =	stream.linear.gather [hbm4b:s4+s3], $0x2000, $0x38;
	[tilespmem:$0xC800] =	vst v63  }
0x15: {  	_ =	swait.ge [sflag:s7], $0x2000  }
0x16: {  	[sflag:s7] =	ssyncset.done $0x0  }
0x17: {  	[sflag:s7] =	ssyncadd.s32 $0xFFFFE000  }
0x18: {  	[tilespmem:s9], [sflag:$0x1] =	stream.indirect.gather [hbm4b:s2+s8], $0x80, s3, s8, $0xb8;
	[tilespmem:$0xC800] =	vst v63  }
0x19: {  	s16 =	simm.s32 $0x0  }
0x1a: {  	[tilespmem:s11], [sflag:$0x2] =	stream.indirect.gather [hbm4b:s2+s8], $0x80, s10, s8, $0xb8;
	[tilespmem:$0xC800] =	vst v63  }
.LBB2_2:
0x1b: {  	_ =	swait.ge [sflag:s12], $0x3200  }
0x1c: {  	[sflag:s12] =	ssyncset.done $0x0  }
0x1d: {  	s19 =	simm.s32 $0x0;
	[sflag:s12] =	ssyncadd.s32 $0xFFFFCE00  }
0x1e: {  	v0 =	vld [tilespmem:s19+$0x2070]  }
0x1f: {  	v1 =	vld [tilespmem:s19+$0x2000]  }
0x20: {  	v3 =	vld [tilespmem:s19+$0x2010]  }
0x21: {  	v12 =	vld [tilespmem:s19+$0x2020]  }
0x22: {  	v10 =	vld [tilespmem:s19+$0x2030]  }
0x23: {  	v2 =	vimm.f32 $0.0e+00;
	v6 =	vimm.f32 $0.0e+00;
	v5 =	vld [tilespmem:s19+$0x2040]  }
0x24: {  	v7 =	vimm.f32 $0.0e+00;
	v8 =	vld [tilespmem:s19+$0x2050];
	v0 =	vadd.f32 v0, v2;
	v9 =	vadd.f32 v1, v2  }
0x25: {  	s17 =	simm.s32 $0x80;
	s18 =	simm.s32 $0x400;
	v11 =	vld [tilespmem:s19+$0x2060];
	v4 =	vadd.f32 v3, v2;
	v3 =	vimm.f32 $0.0e+00;
	v1 =	vimm.f32 $0.0e+00  }
.LBB2_3:
0x26: {  	p0 =	sne.s32 s18, $0x6200;
	v13 =	vld [tilespmem:s17+$0x2070];
	v2 =	vadd.f32 v12, v2  }
0x27: {  	v14 =	vld [tilespmem:s17+$0x2000];
	v6 =	vadd.f32 v10, v6  }
0x28: {  	v15 =	vld [tilespmem:s17+$0x2010];
	v7 =	vadd.f32 v5, v7  }
.Ltmp2:
0x29: {  	v12 =	vld [tilespmem:s17+$0x2020];
	v3 =	vadd.f32 v8, v3;
	(pc) =	sbr.rel @p0 .LBB2_3-.Ltmp2, $4  }
0x2a: {  	v10 =	vld [tilespmem:s17+$0x2030];
	v1 =	vadd.f32 v11, v1  }
0x2b: {  	v5 =	vld [tilespmem:s17+$0x2040];
	v0 =	vadd.f32 v13, v0  }
0x2c: {  	v9 =	vadd.f32 v14, v9;
	v8 =	vld [tilespmem:s17+$0x2050]  }
0x2d: {  	v4 =	vadd.f32 v15, v4;
	v11 =	vld [tilespmem:s17+$0x2060];
	s17 =	sshra.s32 s18, $0x2;
	s18 =	sadd.s32 $0x200, s18  }
0x2e: {  	v13 =	vld [tilespmem:s17+$0x2070]  }
0x2f: {  	v14 =	vld [tilespmem:s17+$0x2000]  }
0x30: {  	v15 =	vld [tilespmem:s17+$0x2010]  }
0x31: {  	v16 =	vld [tilespmem:s17+$0x2020]  }
0x32: {  	v17 =	vld [tilespmem:s17+$0x2030]  }
0x33: {  	v18 =	vld [tilespmem:s17+$0x2040];
	v2 =	vadd.f32 v12, v2  }
0x34: {  	s18 =	sshll.u32 s16, $0xB;
	v6 =	vadd.f32 v10, v6;
	v10 =	vld [tilespmem:s17+$0x2060];
	v9 =	vadd.f32 v14, v9  }
0x35: {  	v12 =	vld [tilespmem:s17+$0x2050];
	s17 =	sshra.s32 s18, $0x2;
	v4 =	vadd.f32 v15, v4  }
0x36: {  	v2 =	vadd.f32 v16, v2;
	[tilespmem:s17+$0x8800] =	vst v9  }
0x37: {  	v1 =	vadd.f32 v11, v1;
	v6 =	vadd.f32 v17, v6;
	[tilespmem:s17+$0x8810] =	vst v4  }
0x38: {  	v5 =	vadd.f32 v5, v7;
	v0 =	vadd.f32 v13, v0;
	[tilespmem:s17+$0x8820] =	vst v2  }
0x39: {  	v3 =	vadd.f32 v8, v3;
	v1 =	vadd.f32 v10, v1;
	[tilespmem:s17+$0x8830] =	vst v6  }
0x3a: {  	v4 =	vadd.f32 v18, v5;
	[tilespmem:s17+$0x8870] =	vst v0  }
0x3b: {  	v2 =	vadd.f32 v12, v3;
	[tilespmem:s17+$0x8860] =	vst v1  }
0x3c: {  	[tilespmem:s17+$0x8840] =	vst v4  }
0x3d: {  	s20 =	simm.s32 $0x0;
	[tilespmem:s17+$0x8850] =	vst v2  }
0x3e: {  	v0 =	vld [tilespmem:s20+$0x3970]  }
0x3f: {  	v2 =	vld [tilespmem:s20+$0x3900]  }
0x40: {  	v3 =	vld [tilespmem:s20+$0x3910]  }
0x41: {  	v11 =	vld [tilespmem:s20+$0x3920]  }
0x42: {  	v10 =	vld [tilespmem:s20+$0x3930]  }
0x43: {  	v8 =	vimm.f32 $0.0e+00;
	v1 =	vimm.f32 $0.0e+00;
	v7 =	vld [tilespmem:s20+$0x3940]  }
0x44: {  	v6 =	vimm.f32 $0.0e+00;
	v4 =	vimm.f32 $0.0e+00;
	v9 =	vld [tilespmem:s20+$0x3950];
	v0 =	vadd.f32 v0, v1  }
0x45: {  	s19 =	simm.s32 $0x400;
	s18 =	simm.s32 $0x80;
	v12 =	vld [tilespmem:s20+$0x3960];
	v5 =	vadd.f32 v2, v1;
	v3 =	vadd.f32 v3, v1;
	v2 =	vimm.f32 $0.0e+00  }
.LBB2_5:
0x46: {  	p0 =	sne.s32 s19, $0x6200;
	v13 =	vld [tilespmem:s18+$0x3970];
	v1 =	vadd.f32 v11, v1  }
0x47: {  	v14 =	vld [tilespmem:s18+$0x3900];
	v6 =	vadd.f32 v10, v6  }
0x48: {  	v15 =	vld [tilespmem:s18+$0x3910];
	v8 =	vadd.f32 v7, v8  }
.Ltmp3:
0x49: {  	v11 =	vld [tilespmem:s18+$0x3920];
	v4 =	vadd.f32 v9, v4;
	(pc) =	sbr.rel @p0 .LBB2_5-.Ltmp3, $4  }
0x4a: {  	v10 =	vld [tilespmem:s18+$0x3930];
	v2 =	vadd.f32 v12, v2  }
0x4b: {  	v7 =	vld [tilespmem:s18+$0x3940];
	v0 =	vadd.f32 v13, v0  }
0x4c: {  	v5 =	vadd.f32 v14, v5;
	v9 =	vld [tilespmem:s18+$0x3950]  }
0x4d: {  	v3 =	vadd.f32 v15, v3;
	v12 =	vld [tilespmem:s18+$0x3960];
	s18 =	sshra.s32 s19, $0x2;
	s19 =	sadd.s32 $0x200, s19  }
0x4e: {  	v14 =	vld [tilespmem:s18+$0x3900]  }
0x4f: {  	v15 =	vld [tilespmem:s18+$0x3910]  }
0x50: {  	v16 =	vld [tilespmem:s18+$0x3920]  }
0x51: {  	v13 =	vld [tilespmem:s18+$0x3970]  }
0x52: {  	v6 =	vadd.f32 v10, v6;
	v10 =	vld [tilespmem:s18+$0x3960]  }
0x53: {  	v17 =	vld [tilespmem:s18+$0x3930];
	v1 =	vadd.f32 v11, v1;
	v5 =	vadd.f32 v14, v5  }
0x54: {  	v18 =	vld [tilespmem:s18+$0x3940];
	v3 =	vadd.f32 v15, v3  }
0x55: {  	v11 =	vld [tilespmem:s18+$0x3950];
	v2 =	vadd.f32 v12, v2;
	v1 =	vadd.f32 v16, v1;
	[tilespmem:s17+$0x8880] =	vst v5  }
0x56: {  	v0 =	vadd.f32 v13, v0;
	[tilespmem:s17+$0x8890] =	vst v3  }
0x57: {  	v7 =	vadd.f32 v7, v8;
	v2 =	vadd.f32 v10, v2;
	[tilespmem:s17+$0x88A0] =	vst v1  }
0x58: {  	v4 =	vadd.f32 v9, v4;
	v5 =	vadd.f32 v17, v6;
	[tilespmem:s17+$0x88F0] =	vst v0  }
0x59: {  	v3 =	vadd.f32 v18, v7;
	[tilespmem:s17+$0x88E0] =	vst v2  }
0x5a: {  	p0 =	seq.s32 s16, $0x1F;
	s18 =	sshll.u32 s16, $0xA;
	v1 =	vadd.f32 v11, v4;
	[tilespmem:s17+$0x88B0] =	vst v5  }
0x5b: {  	s19 =	sshrl.u32 @!p0 s18, $0x2;
	[tilespmem:s17+$0x88C0] =	vst v3  }
0x5c: {  	s20 =	simm.s32 @!p0 $0x64;
	s21 =	simm.s32 @!p0 $0x2000;
	s19 =	sadd.s32 @!p0 $0x100, s19;
	[tilespmem:s17+$0x88D0] =	vst v1  }
0x5d: {  	[tilespmem:s21], [sflag:$0x1] =	stream.indirect.gather @!p0 [hbm4b:s2+s20], $0x80, s19, s20, $0xb8;
	[tilespmem:$0xC800] =	vst v63  }
0x5e: {  	_ =	swait.ge [sflag:s13], $0x3200  }
0x5f: {  	[sflag:s13] =	ssyncset.done $0x0  }
0x60: {  	s31 =	simm.s32 $0x0;
	[sflag:s13] =	ssyncadd.s32 $0xFFFFCE00  }
0x61: {  	v0 =	vld [tilespmem:s31+$0x5470]  }
0x62: {  	v2 =	vld [tilespmem:s31+$0x5400]  }
0x63: {  	v3 =	vld [tilespmem:s31+$0x5410]  }
0x64: {  	v11 =	vld [tilespmem:s31+$0x5420]  }
0x65: {  	v10 =	vld [tilespmem:s31+$0x5430]  }
0x66: {  	v8 =	vimm.f32 $0.0e+00;
	v1 =	vimm.f32 $0.0e+00;
	v7 =	vld [tilespmem:s31+$0x5440]  }
0x67: {  	v6 =	vimm.f32 $0.0e+00;
	v4 =	vimm.f32 $0.0e+00;
	v9 =	vld [tilespmem:s31+$0x5450];
	v0 =	vadd.f32 v0, v1  }
0x68: {  	s19 =	simm.s32 $0x80;
	s20 =	simm.s32 $0x400;
	v12 =	vld [tilespmem:s31+$0x5460];
	v5 =	vadd.f32 v2, v1;
	v3 =	vadd.f32 v3, v1;
	v2 =	vimm.f32 $0.0e+00  }
.LBB2_7:
0x69: {  	p1 =	sne.s32 s20, $0x6200;
	v13 =	vld [tilespmem:s19+$0x5470];
	v1 =	vadd.f32 v11, v1  }
0x6a: {  	v14 =	vld [tilespmem:s19+$0x5400];
	v6 =	vadd.f32 v10, v6  }
0x6b: {  	v15 =	vld [tilespmem:s19+$0x5410];
	v8 =	vadd.f32 v7, v8  }
.Ltmp4:
0x6c: {  	v11 =	vld [tilespmem:s19+$0x5420];
	v4 =	vadd.f32 v9, v4;
	(pc) =	sbr.rel @p1 .LBB2_7-.Ltmp4, $4  }
0x6d: {  	v10 =	vld [tilespmem:s19+$0x5430];
	v2 =	vadd.f32 v12, v2  }
0x6e: {  	v7 =	vld [tilespmem:s19+$0x5440];
	v0 =	vadd.f32 v13, v0  }
0x6f: {  	v5 =	vadd.f32 v14, v5;
	v9 =	vld [tilespmem:s19+$0x5450]  }
0x70: {  	v3 =	vadd.f32 v15, v3;
	v12 =	vld [tilespmem:s19+$0x5460];
	s19 =	sshra.s32 s20, $0x2;
	s20 =	sadd.s32 $0x200, s20  }
0x71: {  	v14 =	vld [tilespmem:s19+$0x5400]  }
0x72: {  	v15 =	vld [tilespmem:s19+$0x5410]  }
0x73: {  	v16 =	vld [tilespmem:s19+$0x5420]  }
0x74: {  	v13 =	vld [tilespmem:s19+$0x5470]  }
0x75: {  	v6 =	vadd.f32 v10, v6;
	v10 =	vld [tilespmem:s19+$0x5460]  }
0x76: {  	v17 =	vld [tilespmem:s19+$0x5430];
	v1 =	vadd.f32 v11, v1;
	v5 =	vadd.f32 v14, v5  }
0x77: {  	v18 =	vld [tilespmem:s19+$0x5440];
	v3 =	vadd.f32 v15, v3  }
0x78: {  	v11 =	vld [tilespmem:s19+$0x5450];
	v2 =	vadd.f32 v12, v2;
	v1 =	vadd.f32 v16, v1;
	[tilespmem:s17+$0x8900] =	vst v5  }
0x79: {  	v0 =	vadd.f32 v13, v0;
	[tilespmem:s17+$0x8910] =	vst v3  }
0x7a: {  	v7 =	vadd.f32 v7, v8;
	v2 =	vadd.f32 v10, v2;
	[tilespmem:s17+$0x8920] =	vst v1  }
0x7b: {  	v4 =	vadd.f32 v9, v4;
	v5 =	vadd.f32 v17, v6;
	[tilespmem:s17+$0x8970] =	vst v0  }
0x7c: {  	v3 =	vadd.f32 v18, v7;
	[tilespmem:s17+$0x8960] =	vst v2  }
0x7d: {  	v1 =	vadd.f32 v11, v4;
	[tilespmem:s17+$0x8930] =	vst v5  }
0x7e: {  	[tilespmem:s17+$0x8940] =	vst v3  }
0x7f: {  	s21 =	simm.s32 $0x0;
	[tilespmem:s17+$0x8950] =	vst v1  }
0x80: {  	v0 =	vld [tilespmem:s21+$0x6D70]  }
0x81: {  	v2 =	vld [tilespmem:s21+$0x6D00]  }
0x82: {  	v3 =	vld [tilespmem:s21+$0x6D10]  }
0x83: {  	v11 =	vld [tilespmem:s21+$0x6D20]  }
0x84: {  	v10 =	vld [tilespmem:s21+$0x6D30]  }
0x85: {  	v8 =	vimm.f32 $0.0e+00;
	v1 =	vimm.f32 $0.0e+00;
	v7 =	vld [tilespmem:s21+$0x6D40]  }
0x86: {  	v6 =	vimm.f32 $0.0e+00;
	v4 =	vimm.f32 $0.0e+00;
	v9 =	vld [tilespmem:s21+$0x6D50];
	v0 =	vadd.f32 v0, v1  }
0x87: {  	s20 =	simm.s32 $0x400;
	s19 =	simm.s32 $0x80;
	v12 =	vld [tilespmem:s21+$0x6D60];
	v5 =	vadd.f32 v2, v1;
	v3 =	vadd.f32 v3, v1;
	v2 =	vimm.f32 $0.0e+00  }
.LBB2_9:
0x88: {  	p1 =	sne.s32 s20, $0x6200;
	v13 =	vld [tilespmem:s19+$0x6D70];
	v1 =	vadd.f32 v11, v1  }
0x89: {  	v14 =	vld [tilespmem:s19+$0x6D00];
	v6 =	vadd.f32 v10, v6  }
0x8a: {  	v15 =	vld [tilespmem:s19+$0x6D10];
	v8 =	vadd.f32 v7, v8  }
.Ltmp5:
0x8b: {  	v11 =	vld [tilespmem:s19+$0x6D20];
	v4 =	vadd.f32 v9, v4;
	(pc) =	sbr.rel @p1 .LBB2_9-.Ltmp5, $4  }
0x8c: {  	v10 =	vld [tilespmem:s19+$0x6D30];
	v2 =	vadd.f32 v12, v2  }
0x8d: {  	v7 =	vld [tilespmem:s19+$0x6D40];
	v0 =	vadd.f32 v13, v0  }
0x8e: {  	v5 =	vadd.f32 v14, v5;
	v9 =	vld [tilespmem:s19+$0x6D50]  }
0x8f: {  	v3 =	vadd.f32 v15, v3;
	v12 =	vld [tilespmem:s19+$0x6D60];
	s19 =	sshra.s32 s20, $0x2;
	s20 =	sadd.s32 $0x200, s20  }
0x90: {  	v14 =	vld [tilespmem:s19+$0x6D00]  }
0x91: {  	v15 =	vld [tilespmem:s19+$0x6D10]  }
0x92: {  	v16 =	vld [tilespmem:s19+$0x6D20]  }
0x93: {  	v17 =	vld [tilespmem:s19+$0x6D30]  }
0x94: {  	v18 =	vld [tilespmem:s19+$0x6D40]  }
0x95: {  	v1 =	vadd.f32 v11, v1;
	v59 =	vld [tilespmem:s19+$0x6D50];
	v5 =	vadd.f32 v14, v5  }
0x96: {  	v13 =	vld [tilespmem:s19+$0x6D70];
	v6 =	vadd.f32 v10, v6;
	v3 =	vadd.f32 v15, v3  }
0x97: {  	v60 =	vld [tilespmem:s19+$0x6D60];
	v7 =	vadd.f32 v7, v8;
	v1 =	vadd.f32 v16, v1;
	[tilespmem:s17+$0x8980] =	vst v5  }
0x98: {  	v4 =	vadd.f32 v9, v4;
	v61 =	vadd.f32 v17, v6;
	[tilespmem:s17+$0x8990] =	vst v3  }
0x99: {  	v62 =	vadd.f32 v18, v7;
	[tilespmem:s17+$0x89A0] =	vst v1  }
.Ltmp6:
0x9a: {  	v2 =	vadd.f32 v12, v2;
	v63 =	vadd.f32 v59, v4;
	[tilespmem:s17+$0x89B0] =	vst v61;
	(pc) =	sbr.rel @p0 .LBB2_12-.Ltmp6, $4  }
0x9b: {  	v0 =	vadd.f32 v13, v0;
	[tilespmem:s17+$0x89C0] =	vst v62  }
0x9c: {  	v2 =	vadd.f32 v60, v2;
	[tilespmem:s17+$0x89D0] =	vst v63  }
0x9d: {  	[tilespmem:s17+$0x89F0] =	vst v0  }
0x9e: {  	[tilespmem:s17+$0x89E0] =	vst v2  }
.Ltmp7:
0x9f: {  	(pc) =	sbr.rel .LBB2_2-.Ltmp7, $4  }
0xa0: {  	_ = 	snop  }
0xa1: {  	s17 =	sshrl.u32 s18, $0x2  }
0xa2: {  	s16 =	sadd.s32 $0x1, s16;
	s17 =	sadd.s32 $0x180, s17  }
0xa3: {  	[tilespmem:s11], [sflag:$0x2] =	stream.indirect.gather [hbm4b:s2+s8], $0x80, s17, s8, $0xb8;
	[tilespmem:$0xC800] =	vst v63  }
.LBB2_13:
0xa4: {  	_ =	sfence.sel $0x180000  }
0xa5: {  	[bflag:$0x0] =	sbarrier.arrive $0xFFFF  }
0xa6: {  	p0 =	sne.s32 s1, $0x0;
	_ =	strace $0x90000047  }
0xa7: {  	s0 =	sadd.s32 @!p0 $0x100000, s0;
	[bflag:$0x2] =	sbarrier.arrive $0xFFFF  }
0xa8: {  	[sflag:s0] =	ssyncadd.tile.s32 @!p0 $0x1;
	_ =	shalt  }
.Lfunc_end2:
_tile_overlayer_lowered:
.L_overlay_start_2:
0xa9: {  	(tag) =	ssettag $0x2  }
0xaa: {  	s0 =	rddreg [dreg:$0x0];
	s2 =	stileid.u32  }
0xab: {  	s1 =	rddreg [dreg:$0x1];
	p0 =	sne.s32 s2, $0x0  }
0xac: {  	s3 =	rddreg [dreg:$0x2];
	[bflag:$0x3] =	sbarrier.arrive $0xFFFF;
	s2 =	simm.s32 @!p0 $0x1C03  }
0xad: {  	[timem:s3], [sflag:s2] =	dma.local @!p0 [hbm:s0], s1  }
0xae: {  	s0 =	simm.s32 @!p0 $0x3  }
0xaf: {  	_ =	swait.ge @!p0 [sflag:s0], s1  }
0xb0: {  	s1 =	ssub.s32 @!p0 $0x0, s1;
	[sflag:s0] =	ssyncset.done @!p0 $0x0  }
0xb1: {  	[sflag:s0] =	ssyncadd.s32 @!p0 s1  }
0xb2: {  	[bflag:$0x3] =	sbarrier.arrive $0xFFFF  }
0xb3: {  	_ =	shalt  }

</sc_bundles>
